<compile_context>
chip_gen: v7x
topology: tpu7x:2x2x1
jax: 0.10.2.dev20260603
libtpu: 0.0.44.dev20260713+nightly
codegen_flags: <defaults>
</compile_context>

<pallas_src>
import functools

import jax
import jax.numpy as jnp
from jax import lax
from jax.experimental import pallas as pl
from jax.experimental.pallas import tpu as pltpu
from jax.experimental.pallas import tpu_sc as plsc

B = 16384
NF = 64
NH = 40

_NC = 2
_NS = 16
_NW = _NC * _NS
_BPW = B // _NW
_G = 16
_HP = _BPW // 2
_NGP = _HP // _G


def _sc_gather_body(user_hbm, book_hbm, xu_hbm, xb_hbm, u_out, b_out,
                    idx_u, idx_b, rows_u, rows_b, sem):
    wid = lax.axis_index("s") * _NC + lax.axis_index("c")
    base = wid * _BPW
    pltpu.sync_copy(xu_hbm.at[pl.ds(base, _BPW)], idx_u)
    pltpu.sync_copy(xb_hbm.at[pl.ds(base, _BPW)], idx_b)

    def one_pass(off, out_off):
        def body(g, _):
            vu = idx_u[pl.ds(off + g * _G, _G)]
            vb = idx_b[pl.ds(off + g * _G, _G)]
            for l in range(_G):
                pltpu.async_copy(user_hbm.at[pl.ds(vu[l], 1)],
                                 rows_u.at[pl.ds(g * _G + l, 1)], sem)
                pltpu.async_copy(book_hbm.at[pl.ds(vb[l], 1)],
                                 rows_b.at[pl.ds(g * _G + l, 1)], sem)

            @pl.when(g > 0)
            def _():
                pltpu.make_async_copy(
                    user_hbm.at[pl.ds(0, _G)],
                    rows_u.at[pl.ds((g - 1) * _G, _G)], sem).wait()
                pltpu.make_async_copy(
                    book_hbm.at[pl.ds(0, _G)],
                    rows_b.at[pl.ds((g - 1) * _G, _G)], sem).wait()

            return ()

        lax.fori_loop(0, _NGP, body, ())
        pltpu.make_async_copy(user_hbm.at[pl.ds(0, _G)],
                              rows_u.at[pl.ds(_HP - _G, _G)], sem).wait()
        pltpu.make_async_copy(book_hbm.at[pl.ds(0, _G)],
                              rows_b.at[pl.ds(_HP - _G, _G)], sem).wait()
        pltpu.sync_copy(rows_u, u_out.at[pl.ds(out_off, _HP)])
        pltpu.sync_copy(rows_b, b_out.at[pl.ds(out_off, _HP)])

    one_pass(0, base)
    one_pass(_HP, base + _HP)


_sc_gather = functools.partial(
    pl.kernel,
    out_type=(jax.ShapeDtypeStruct((B, NF), jnp.float32),
              jax.ShapeDtypeStruct((B, NF), jnp.float32)),
    mesh=plsc.VectorSubcoreMesh(core_axis_name="c", subcore_axis_name="s"),
    scratch_types=[
        pltpu.VMEM((_BPW,), jnp.int32),
        pltpu.VMEM((_BPW,), jnp.int32),
        pltpu.VMEM((_HP, NF), jnp.float32),
        pltpu.VMEM((_HP, NF), jnp.float32),
        pltpu.SemaphoreType.DMA,
    ],
)(_sc_gather_body)


_BLK = 2048


def _mlp_body(u_ref, b_ref, wu_ref, wb_ref, fcb_ref, w1_ref, b1_ref,
              w2_ref, b2_ref, out_ref):
    u = jnp.maximum(u_ref[...], 0.0)
    b = jnp.maximum(b_ref[...], 0.0)
    h = (jnp.dot(u, wu_ref[...], preferred_element_type=jnp.float32)
         + jnp.dot(b, wb_ref[...], preferred_element_type=jnp.float32)
         + fcb_ref[...])
    h = jnp.maximum(h, 0.0)
    h = jnp.dot(h, w1_ref[...], preferred_element_type=jnp.float32) + b1_ref[...]
    h = jnp.maximum(h, 0.0)
    h = jnp.dot(h, w2_ref[...], preferred_element_type=jnp.float32) + b2_ref[...]
    out_ref[...] = jnp.maximum(h, 0.0)


_mlp = pl.pallas_call(
    _mlp_body,
    grid=(B // _BLK,),
    in_specs=[
        pl.BlockSpec((_BLK, NF), lambda i: (i, 0)),
        pl.BlockSpec((_BLK, NF), lambda i: (i, 0)),
        pl.BlockSpec((NF, NH), lambda i: (0, 0)),
        pl.BlockSpec((NF, NH), lambda i: (0, 0)),
        pl.BlockSpec((1, NH), lambda i: (0, 0)),
        pl.BlockSpec((NH, 5), lambda i: (0, 0)),
        pl.BlockSpec((1, 5), lambda i: (0, 0)),
        pl.BlockSpec((5, 1), lambda i: (0, 0)),
        pl.BlockSpec((1, 1), lambda i: (0, 0)),
    ],
    out_specs=pl.BlockSpec((_BLK, 1), lambda i: (i, 0)),
    out_shape=jax.ShapeDtypeStruct((B, 1), jnp.float32),
)


def kernel(x, user_emb, book_emb, fc_w, fc_b, hl1_w, hl1_b, hl2_w, hl2_b):
    xu = x[:, 0].astype(jnp.int32)
    xb = x[:, 1].astype(jnp.int32)
    u_rows, b_rows = _sc_gather(user_emb, book_emb, xu, xb)
    fc_wT = fc_w.T
    return _mlp(
        u_rows, b_rows,
        fc_wT[:NF], fc_wT[NF:], fc_b.reshape(1, NH),
        hl1_w.T, hl1_b.reshape(1, 5),
        hl2_w.T, hl2_b.reshape(1, 1),
    )

# --- scband reference (transcript-rebuilt; emitter-appended) ---
"""Pipeline reference for scband-recommender-net-27539330302415 (READ-ONLY COPY).

The authoritative reference and input builder live on the scoring server;
editing this copy changes nothing except your own understanding.
"""

import jax, jax.numpy as jnp
import numpy as np

B = 16384
N_USERS = 1000000
N_BOOKS = 1000000
NF = 64
NH = 40


def setup_inputs(seed: int = 0) -> dict:
    key = jax.random.key(seed)
    ks = jax.random.split(key, 10)
    x = jax.random.randint(ks[0], (B, 2), 0, N_USERS, dtype=jnp.int64) if jax.config.jax_enable_x64 else jax.random.randint(ks[0], (B, 2), 0, N_USERS, dtype=jnp.int32)
    user_emb = jax.random.normal(ks[1], (N_USERS, NF), dtype=jnp.float32) * 0.02
    book_emb = jax.random.normal(ks[2], (N_BOOKS, NF), dtype=jnp.float32) * 0.02
    fc_w = jax.random.normal(ks[3], (NH, 2 * NF), dtype=jnp.float32) * 0.05
    fc_b = jnp.zeros((NH,), dtype=jnp.float32)
    hl1_w = jax.random.normal(ks[4], (5, NH), dtype=jnp.float32) * 0.1
    hl1_b = jnp.zeros((5,), dtype=jnp.float32)
    hl2_w = jax.random.normal(ks[5], (1, 5), dtype=jnp.float32) * 0.1
    hl2_b = jnp.zeros((1,), dtype=jnp.float32)
    return {
        "x": x,
        "user_emb": user_emb,
        "book_emb": book_emb,
        "fc_w": fc_w,
        "fc_b": fc_b,
        "hl1_w": hl1_w,
        "hl1_b": hl1_b,
        "hl2_w": hl2_w,
        "hl2_b": hl2_b,
    }


def reference(x, user_emb, book_emb, fc_w, fc_b, hl1_w, hl1_b, hl2_w, hl2_b):
    users = jnp.take(user_emb, x[:, 0], axis=0)
    books = jnp.take(book_emb, x[:, 1], axis=0)
    h = jax.nn.relu(jnp.concatenate([users, books], axis=1))
    # dropout is identity in eval mode
    h = jax.nn.relu(h @ fc_w.T + fc_b)
    h = jax.nn.relu(h @ hl1_w.T + hl1_b)
    h = jax.nn.relu(h @ hl2_w.T + hl2_b)
    return h

if __name__ == "__main__":
    import jax
    _d = setup_inputs()
    print(jax.jit(kernel)(*tuple(_d.values())))

</pallas_src>

<mosaic_0001>
#map = affine_map<(d0, d1) -> (0, 0)>
#map1 = affine_map<(d0, d1) -> (0)>
module attributes {stable_mosaic.version = 14 : i64} {
  func.func @_sc_gather_body(%arg0: i32, %arg1: i32, %arg2: memref<1000000x64xf32, #tpu.memory_space<hbm>>, %arg3: memref<1000000x64xf32, #tpu.memory_space<hbm>>, %arg4: memref<16384xi32, #tpu.memory_space<hbm>>, %arg5: memref<16384xi32, #tpu.memory_space<hbm>>, %arg6: memref<16384x64xf32, #tpu.memory_space<hbm>>, %arg7: memref<16384x64xf32, #tpu.memory_space<hbm>>, %arg8: memref<512xi32, #tpu.memory_space<vmem>>, %arg9: memref<512xi32, #tpu.memory_space<vmem>>, %arg10: memref<256x64xf32, #tpu.memory_space<vmem>>, %arg11: memref<256x64xf32, #tpu.memory_space<vmem>>, %arg12: memref<!tpu.dma_semaphore, #tpu.memory_space<semaphore_mem>>) attributes {dimension_semantics = [#tpu.dimension_semantics<core_parallel>, #tpu.dimension_semantics<subcore_parallel>], iteration_bounds = array<i64: 2, 16>, scalar_prefetch = 0 : i64, scratch_operands = 5 : i64, tpu.core_type = #tpu.core_type<sc_vector_subcore>, window_params = [{transform_indices = #map}, {transform_indices = #map}, {transform_indices = #map1}, {transform_indices = #map1}, {transform_indices = #map}, {transform_indices = #map}]} {
    %mul3A = arith.constant 2 : i32
    %mul3A_0 = arith.muli %arg1, %mul3A : i32
    %add3A = arith.addi %mul3A_0, %arg0 : i32
    %mul3A_1 = arith.constant 512 : i32
    %mul3A_2 = arith.muli %add3A, %mul3A_1 : i32
    "tpu.region"() ({
      %run_scoped3A = tpu.sem_alloc : memref<!tpu.dma_semaphore, #tpu.memory_space<semaphore_mem>>
      %dma_start3A = tpu.memref_slice %arg4[%mul3A_2] : memref<16384xi32, #tpu.memory_space<hbm>> -> memref<512xi32, #tpu.memory_space<hbm>>
      %dma_start3A_61 = tpu.memref_slice %arg4[%mul3A_2] : memref<16384xi32, #tpu.memory_space<hbm>> -> memref<512xi32, #tpu.memory_space<hbm>>
      tpu.enqueue_dma source(%dma_start3A_61 : memref<512xi32, #tpu.memory_space<hbm>>) target(%arg8 : memref<512xi32, #tpu.memory_space<vmem>>) target_semaphore(%run_scoped3A : memref<!tpu.dma_semaphore, #tpu.memory_space<semaphore_mem>>)
      %dma_wait3A_62 = tpu.memref_slice %arg4[%mul3A_2] : memref<16384xi32, #tpu.memory_space<hbm>> -> memref<512xi32, #tpu.memory_space<hbm>>
      %dma_wait3A_63 = tpu.memref_slice %arg4[%mul3A_2] : memref<16384xi32, #tpu.memory_space<hbm>> -> memref<512xi32, #tpu.memory_space<hbm>>
      tpu.wait_dma2 semaphore(%run_scoped3A : memref<!tpu.dma_semaphore, #tpu.memory_space<semaphore_mem>>) src(%dma_wait3A_63 : memref<512xi32, #tpu.memory_space<hbm>>) dst(%arg8 : memref<512xi32, #tpu.memory_space<vmem>>)
      tpu.yield
    }) : () -> ()
    "tpu.region"() ({
      %run_scoped3A = tpu.sem_alloc : memref<!tpu.dma_semaphore, #tpu.memory_space<semaphore_mem>>
      %dma_start3A = tpu.memref_slice %arg5[%mul3A_2] : memref<16384xi32, #tpu.memory_space<hbm>> -> memref<512xi32, #tpu.memory_space<hbm>>
      %dma_start3A_61 = tpu.memref_slice %arg5[%mul3A_2] : memref<16384xi32, #tpu.memory_space<hbm>> -> memref<512xi32, #tpu.memory_space<hbm>>
      tpu.enqueue_dma source(%dma_start3A_61 : memref<512xi32, #tpu.memory_space<hbm>>) target(%arg9 : memref<512xi32, #tpu.memory_space<vmem>>) target_semaphore(%run_scoped3A : memref<!tpu.dma_semaphore, #tpu.memory_space<semaphore_mem>>)
      %dma_wait3A_62 = tpu.memref_slice %arg5[%mul3A_2] : memref<16384xi32, #tpu.memory_space<hbm>> -> memref<512xi32, #tpu.memory_space<hbm>>
      %dma_wait3A_63 = tpu.memref_slice %arg5[%mul3A_2] : memref<16384xi32, #tpu.memory_space<hbm>> -> memref<512xi32, #tpu.memory_space<hbm>>
      tpu.wait_dma2 semaphore(%run_scoped3A : memref<!tpu.dma_semaphore, #tpu.memory_space<semaphore_mem>>) src(%dma_wait3A_63 : memref<512xi32, #tpu.memory_space<hbm>>) dst(%arg9 : memref<512xi32, #tpu.memory_space<vmem>>)
      tpu.yield
    }) : () -> ()
    %scan3A = arith.constant 0 : i32
    %scan3A_3 = arith.constant 16 : i32
    %scan3A_4 = arith.addi %scan3A, %scan3A_3 : i32
    %scan3A_5 = arith.constant 1 : i32
    scf.for %scan3A_61 = %scan3A to %scan3A_4 step %scan3A_5  : i32 {
      %mul3A_62 = arith.constant 16 : i32
      %mul3A_63 = arith.muli %scan3A_61, %mul3A_62 : i32
      %add3A_64 = arith.constant 0 : i32
      %add3A_65 = arith.addi %add3A_64, %mul3A_63 : i32
      %get3A = arith.index_cast %add3A_65 : i32 to index
      %get3A_66 = tpu.vector_load %arg8[%get3A] {strides = array<i32>} : memref<512xi32, #tpu.memory_space<vmem>>, vector<16xi32>,
      %get3A_67 = vector.shape_cast %get3A_66 : vector<16xi32> to vector<16xi32>
      %mul3A_68 = arith.constant 16 : i32
      %mul3A_69 = arith.muli %scan3A_61, %mul3A_68 : i32
      %add3A_70 = arith.constant 0 : i32
      %add3A_71 = arith.addi %add3A_70, %mul3A_69 : i32
      %get3A_72 = arith.index_cast %add3A_71 : i32 to index
      %get3A_73 = tpu.vector_load %arg9[%get3A_72] {strides = array<i32>} : memref<512xi32, #tpu.memory_space<vmem>>, vector<16xi32>,
      %get3A_74 = vector.shape_cast %get3A_73 : vector<16xi32> to vector<16xi32>
      %slice3A = vector.extract_strided_slice %get3A_67 {offsets = [0], sizes = [1], strides = [1]} : vector<16xi32> to vector<1xi32>
      %squeeze3A = vector.extract %slice3A[0] : i32 from vector<1xi32>
      %mul3A_75 = arith.constant 16 : i32
      %mul3A_76 = arith.muli %scan3A_61, %mul3A_75 : i32
      %add3A_77 = arith.constant 0 : i32
      %add3A_78 = arith.addi %mul3A_76, %add3A_77 : i32
      %dma_start3A = arith.constant 0 : i32
      %dma_start3A_79 = tpu.memref_slice %arg10[%add3A_78, %dma_start3A] : memref<256x64xf32, #tpu.memory_space<vmem>> -> memref<1x64xf32, #tpu.memory_space<vmem>>
      %dma_start3A_80 = arith.constant 0 : i32
      %dma_start3A_81 = tpu.memref_slice %arg2[%squeeze3A, %dma_start3A_80] : memref<1000000x64xf32, #tpu.memory_space<hbm>> -> memref<1x64xf32, #tpu.memory_space<hbm>>
      %dma_start3A_82 = arith.constant 0 : i32
      %dma_start3A_83 = tpu.memref_slice %arg10[%add3A_78, %dma_start3A_82] : memref<256x64xf32, #tpu.memory_space<vmem>> -> memref<1x64xf32, #tpu.memory_space<vmem>>
      %dma_start3A_84 = arith.constant 0 : i32
      %dma_start3A_85 = tpu.memref_slice %arg2[%squeeze3A, %dma_start3A_84] : memref<1000000x64xf32, #tpu.memory_space<hbm>> -> memref<1x64xf32, #tpu.memory_space<hbm>>
      tpu.enqueue_dma source(%dma_start3A_85 : memref<1x64xf32, #tpu.memory_space<hbm>>) target(%dma_start3A_83 : memref<1x64xf32, #tpu.memory_space<vmem>>) target_semaphore(%arg12 : memref<!tpu.dma_semaphore, #tpu.memory_space<semaphore_mem>>)
      %slice3A_86 = vector.extract_strided_slice %get3A_74 {offsets = [0], sizes = [1], strides = [1]} : vector<16xi32> to vector<1xi32>
      %squeeze3A_87 = vector.extract %slice3A_86[0] : i32 from vector<1xi32>
      %mul3A_88 = arith.constant 16 : i32
      %mul3A_89 = arith.muli %scan3A_61, %mul3A_88 : i32
      %add3A_90 = arith.constant 0 : i32
      %add3A_91 = arith.addi %mul3A_89, %add3A_90 : i32
      %dma_start3A_92 = arith.constant 0 : i32
      %dma_start3A_93 = tpu.memref_slice %arg11[%add3A_91, %dma_start3A_92] : memref<256x64xf32, #tpu.memory_space<vmem>> -> memref<1x64xf32, #tpu.memory_space<vmem>>
      %dma_start3A_94 = arith.constant 0 : i32
      %dma_start3A_95 = tpu.memref_slice %arg3[%squeeze3A_87, %dma_start3A_94] : memref<1000000x64xf32, #tpu.memory_space<hbm>> -> memref<1x64xf32, #tpu.memory_space<hbm>>
      %dma_start3A_96 = arith.constant 0 : i32
      %dma_start3A_97 = tpu.memref_slice %arg11[%add3A_91, %dma_start3A_96] : memref<256x64xf32, #tpu.memory_space<vmem>> -> memref<1x64xf32, #tpu.memory_space<vmem>>
      %dma_start3A_98 = arith.constant 0 : i32
      %dma_start3A_99 = tpu.memref_slice %arg3[%squeeze3A_87, %dma_start3A_98] : memref<1000000x64xf32, #tpu.memory_space<hbm>> -> memref<1x64xf32, #tpu.memory_space<hbm>>
      tpu.enqueue_dma source(%dma_start3A_99 : memref<1x64xf32, #tpu.memory_space<hbm>>) target(%dma_start3A_97 : memref<1x64xf32, #tpu.memory_space<vmem>>) target_semaphore(%arg12 : memref<!tpu.dma_semaphore, #tpu.memory_space<semaphore_mem>>)
      %slice3A_100 = vector.extract_strided_slice %get3A_67 {offsets = [1], sizes = [1], strides = [1]} : vector<16xi32> to vector<1xi32>
      %squeeze3A_101 = vector.extract %slice3A_100[0] : i32 from vector<1xi32>
      %mul3A_102 = arith.constant 16 : i32
      %mul3A_103 = arith.muli %scan3A_61, %mul3A_102 : i32
      %add3A_104 = arith.constant 1 : i32
      %add3A_105 = arith.addi %mul3A_103, %add3A_104 : i32
      %dma_start3A_106 = arith.constant 0 : i32
      %dma_start3A_107 = tpu.memref_slice %arg10[%add3A_105, %dma_start3A_106] : memref<256x64xf32, #tpu.memory_space<vmem>> -> memref<1x64xf32, #tpu.memory_space<vmem>>
      %dma_start3A_108 = arith.constant 0 : i32
      %dma_start3A_109 = tpu.memref_slice %arg2[%squeeze3A_101, %dma_start3A_108] : memref<1000000x64xf32, #tpu.memory_space<hbm>> -> memref<1x64xf32, #tpu.memory_space<hbm>>
      %dma_start3A_110 = arith.constant 0 : i32
      %dma_start3A_111 = tpu.memref_slice %arg10[%add3A_105, %dma_start3A_110] : memref<256x64xf32, #tpu.memory_space<vmem>> -> memref<1x64xf32, #tpu.memory_space<vmem>>
      %dma_start3A_112 = arith.constant 0 : i32
      %dma_start3A_113 = tpu.memref_slice %arg2[%squeeze3A_101, %dma_start3A_112] : memref<1000000x64xf32, #tpu.memory_space<hbm>> -> memref<1x64xf32, #tpu.memory_space<hbm>>
      tpu.enqueue_dma source(%dma_start3A_113 : memref<1x64xf32, #tpu.memory_space<hbm>>) target(%dma_start3A_111 : memref<1x64xf32, #tpu.memory_space<vmem>>) target_semaphore(%arg12 : memref<!tpu.dma_semaphore, #tpu.memory_space<semaphore_mem>>)
      %slice3A_114 = vector.extract_strided_slice %get3A_74 {offsets = [1], sizes = [1], strides = [1]} : vector<16xi32> to vector<1xi32>
      %squeeze3A_115 = vector.extract %slice3A_114[0] : i32 from vector<1xi32>
      %mul3A_116 = arith.constant 16 : i32
      %mul3A_117 = arith.muli %scan3A_61, %mul3A_116 : i32
      %add3A_118 = arith.constant 1 : i32
      %add3A_119 = arith.addi %mul3A_117, %add3A_118 : i32
      %dma_start3A_120 = arith.constant 0 : i32
      %dma_start3A_121 = tpu.memref_slice %arg11[%add3A_119, %dma_start3A_120] : memref<256x64xf32, #tpu.memory_space<vmem>> -> memref<1x64xf32, #tpu.memory_space<vmem>>
      %dma_start3A_122 = arith.constant 0 : i32
      %dma_start3A_123 = tpu.memref_slice %arg3[%squeeze3A_115, %dma_start3A_122] : memref<1000000x64xf32, #tpu.memory_space<hbm>> -> memref<1x64xf32, #tpu.memory_space<hbm>>
      %dma_start3A_124 = arith.constant 0 : i32
      %dma_start3A_125 = tpu.memref_slice %arg11[%add3A_119, %dma_start3A_124] : memref<256x64xf32, #tpu.memory_space<vmem>> -> memref<1x64xf32, #tpu.memory_space<vmem>>
      %dma_start3A_126 = arith.constant 0 : i32
      %dma_start3A_127 = tpu.memref_slice %arg3[%squeeze3A_115, %dma_start3A_126] : memref<1000000x64xf32, #tpu.memory_space<hbm>> -> memref<1x64xf32, #tpu.memory_space<hbm>>
      tpu.enqueue_dma source(%dma_start3A_127 : memref<1x64xf32, #tpu.memory_space<hbm>>) target(%dma_start3A_125 : memref<1x64xf32, #tpu.memory_space<vmem>>) target_semaphore(%arg12 : memref<!tpu.dma_semaphore, #tpu.memory_space<semaphore_mem>>)
      %slice3A_128 = vector.extract_strided_slice %get3A_67 {offsets = [2], sizes = [1], strides = [1]} : vector<16xi32> to vector<1xi32>
      %squeeze3A_129 = vector.extract %slice3A_128[0] : i32 from vector<1xi32>
      %mul3A_130 = arith.constant 16 : i32
      %mul3A_131 = arith.muli %scan3A_61, %mul3A_130 : i32
      %add3A_132 = arith.constant 2 : i32
      %add3A_133 = arith.addi %mul3A_131, %add3A_132 : i32
      %dma_start3A_134 = arith.constant 0 : i32
      %dma_start3A_135 = tpu.memref_slice %arg10[%add3A_133, %dma_start3A_134] : memref<256x64xf32, #tpu.memory_space<vmem>> -> memref<1x64xf32, #tpu.memory_space<vmem>>
      %dma_start3A_136 = arith.constant 0 : i32
      %dma_start3A_137 = tpu.memref_slice %arg2[%squeeze3A_129, %dma_start3A_136] : memref<1000000x64xf32, #tpu.memory_space<hbm>> -> memref<1x64xf32, #tpu.memory_space<hbm>>
      %dma_start3A_138 = arith.constant 0 : i32
      %dma_start3A_139 = tpu.memref_slice %arg10[%add3A_133, %dma_start3A_138] : memref<256x64xf32, #tpu.memory_space<vmem>> -> memref<1x64xf32, #tpu.memory_space<vmem>>
      %dma_start3A_140 = arith.constant 0 : i32
      %dma_start3A_141 = tpu.memref_slice %arg2[%squeeze3A_129, %dma_start3A_140] : memref<1000000x64xf32, #tpu.memory_space<hbm>> -> memref<1x64xf32, #tpu.memory_space<hbm>>
      tpu.enqueue_dma source(%dma_start3A_141 : memref<1x64xf32, #tpu.memory_space<hbm>>) target(%dma_start3A_139 : memref<1x64xf32, #tpu.memory_space<vmem>>) target_semaphore(%arg12 : memref<!tpu.dma_semaphore, #tpu.memory_space<semaphore_mem>>)
      %slice3A_142 = vector.extract_strided_slice %get3A_74 {offsets = [2], sizes = [1], strides = [1]} : vector<16xi32> to vector<1xi32>
      %squeeze3A_143 = vector.extract %slice3A_142[0] : i32 from vector<1xi32>
      %mul3A_144 = arith.constant 16 : i32
      %mul3A_145 = arith.muli %scan3A_61, %mul3A_144 : i32
      %add3A_146 = arith.constant 2 : i32
      %add3A_147 = arith.addi %mul3A_145, %add3A_146 : i32
      %dma_start3A_148 = arith.constant 0 : i32
      %dma_start3A_149 = tpu.memref_slice %arg11[%add3A_147, %dma_start3A_148] : memref<256x64xf32, #tpu.memory_space<vmem>> -> memref<1x64xf32, #tpu.memory_space<vmem>>
      %dma_start3A_150 = arith.constant 0 : i32
      %dma_start3A_151 = tpu.memref_slice %arg3[%squeeze3A_143, %dma_start3A_150] : memref<1000000x64xf32, #tpu.memory_space<hbm>> -> memref<1x64xf32, #tpu.memory_space<hbm>>
      %dma_start3A_152 = arith.constant 0 : i32
      %dma_start3A_153 = tpu.memref_slice %arg11[%add3A_147, %dma_start3A_152] : memref<256x64xf32, #tpu.memory_space<vmem>> -> memref<1x64xf32, #tpu.memory_space<vmem>>
      %dma_start3A_154 = arith.constant 0 : i32
      %dma_start3A_155 = tpu.memref_slice %arg3[%squeeze3A_143, %dma_start3A_154] : memref<1000000x64xf32, #tpu.memory_space<hbm>> -> memref<1x64xf32, #tpu.memory_space<hbm>>
      tpu.enqueue_dma source(%dma_start3A_155 : memref<1x64xf32, #tpu.memory_space<hbm>>) target(%dma_start3A_153 : memref<1x64xf32, #tpu.memory_space<vmem>>) target_semaphore(%arg12 : memref<!tpu.dma_semaphore, #tpu.memory_space<semaphore_mem>>)
      %slice3A_156 = vector.extract_strided_slice %get3A_67 {offsets = [3], sizes = [1], strides = [1]} : vector<16xi32> to vector<1xi32>
      %squeeze3A_157 = vector.extract %slice3A_156[0] : i32 from vector<1xi32>
      %mul3A_158 = arith.constant 16 : i32
      %mul3A_159 = arith.muli %scan3A_61, %mul3A_158 : i32
      %add3A_160 = arith.constant 3 : i32
      %add3A_161 = arith.addi %mul3A_159, %add3A_160 : i32
      %dma_start3A_162 = arith.constant 0 : i32
      %dma_start3A_163 = tpu.memref_slice %arg10[%add3A_161, %dma_start3A_162] : memref<256x64xf32, #tpu.memory_space<vmem>> -> memref<1x64xf32, #tpu.memory_space<vmem>>
      %dma_start3A_164 = arith.constant 0 : i32
      %dma_start3A_165 = tpu.memref_slice %arg2[%squeeze3A_157, %dma_start3A_164] : memref<1000000x64xf32, #tpu.memory_space<hbm>> -> memref<1x64xf32, #tpu.memory_space<hbm>>
      %dma_start3A_166 = arith.constant 0 : i32
      %dma_start3A_167 = tpu.memref_slice %arg10[%add3A_161, %dma_start3A_166] : memref<256x64xf32, #tpu.memory_space<vmem>> -> memref<1x64xf32, #tpu.memory_space<vmem>>
      %dma_start3A_168 = arith.constant 0 : i32
      %dma_start3A_169 = tpu.memref_slice %arg2[%squeeze3A_157, %dma_start3A_168] : memref<1000000x64xf32, #tpu.memory_space<hbm>> -> memref<1x64xf32, #tpu.memory_space<hbm>>
      tpu.enqueue_dma source(%dma_start3A_169 : memref<1x64xf32, #tpu.memory_space<hbm>>) target(%dma_start3A_167 : memref<1x64xf32, #tpu.memory_space<vmem>>) target_semaphore(%arg12 : memref<!tpu.dma_semaphore, #tpu.memory_space<semaphore_mem>>)
      %slice3A_170 = vector.extract_strided_slice %get3A_74 {offsets = [3], sizes = [1], strides = [1]} : vector<16xi32> to vector<1xi32>
      %squeeze3A_171 = vector.extract %slice3A_170[0] : i32 from vector<1xi32>
      %mul3A_172 = arith.constant 16 : i32
      %mul3A_173 = arith.muli %scan3A_61, %mul3A_172 : i32
      %add3A_174 = arith.constant 3 : i32
      %add3A_175 = arith.addi %mul3A_173, %add3A_174 : i32
      %dma_start3A_176 = arith.constant 0 : i32
      %dma_start3A_177 = tpu.memref_slice %arg11[%add3A_175, %dma_start3A_176] : memref<256x64xf32, #tpu.memory_space<vmem>> -> memref<1x64xf32, #tpu.memory_space<vmem>>
      %dma_start3A_178 = arith.constant 0 : i32
      %dma_start3A_179 = tpu.memref_slice %arg3[%squeeze3A_171, %dma_start3A_178] : memref<1000000x64xf32, #tpu.memory_space<hbm>> -> memref<1x64xf32, #tpu.memory_space<hbm>>
      %dma_start3A_180 = arith.constant 0 : i32
      %dma_start3A_181 = tpu.memref_slice %arg11[%add3A_175, %dma_start3A_180] : memref<256x64xf32, #tpu.memory_space<vmem>> -> memref<1x64xf32, #tpu.memory_space<vmem>>
      %dma_start3A_182 = arith.constant 0 : i32
      %dma_start3A_183 = tpu.memref_slice %arg3[%squeeze3A_171, %dma_start3A_182] : memref<1000000x64xf32, #tpu.memory_space<hbm>> -> memref<1x64xf32, #tpu.memory_space<hbm>>
      tpu.enqueue_dma source(%dma_start3A_183 : memref<1x64xf32, #tpu.memory_space<hbm>>) target(%dma_start3A_181 : memref<1x64xf32, #tpu.memory_space<vmem>>) target_semaphore(%arg12 : memref<!tpu.dma_semaphore, #tpu.memory_space<semaphore_mem>>)
      %slice3A_184 = vector.extract_strided_slice %get3A_67 {offsets = [4], sizes = [1], strides = [1]} : vector<16xi32> to vector<1xi32>
      %squeeze3A_185 = vector.extract %slice3A_184[0] : i32 from vector<1xi32>
      %mul3A_186 = arith.constant 16 : i32
      %mul3A_187 = arith.muli %scan3A_61, %mul3A_186 : i32
      %add3A_188 = arith.constant 4 : i32
      %add3A_189 = arith.addi %mul3A_187, %add3A_188 : i32
      %dma_start3A_190 = arith.constant 0 : i32
      %dma_start3A_191 = tpu.memref_slice %arg10[%add3A_189, %dma_start3A_190] : memref<256x64xf32, #tpu.memory_space<vmem>> -> memref<1x64xf32, #tpu.memory_space<vmem>>
      %dma_start3A_192 = arith.constant 0 : i32
      %dma_start3A_193 = tpu.memref_slice %arg2[%squeeze3A_185, %dma_start3A_192] : memref<1000000x64xf32, #tpu.memory_space<hbm>> -> memref<1x64xf32, #tpu.memory_space<hbm>>
      %dma_start3A_194 = arith.constant 0 : i32
      %dma_start3A_195 = tpu.memref_slice %arg10[%add3A_189, %dma_start3A_194] : memref<256x64xf32, #tpu.memory_space<vmem>> -> memref<1x64xf32, #tpu.memory_space<vmem>>
      %dma_start3A_196 = arith.constant 0 : i32
      %dma_start3A_197 = tpu.memref_slice %arg2[%squeeze3A_185, %dma_start3A_196] : memref<1000000x64xf32, #tpu.memory_space<hbm>> -> memref<1x64xf32, #tpu.memory_space<hbm>>
      tpu.enqueue_dma source(%dma_start3A_197 : memref<1x64xf32, #tpu.memory_space<hbm>>) target(%dma_start3A_195 : memref<1x64xf32, #tpu.memory_space<vmem>>) target_semaphore(%arg12 : memref<!tpu.dma_semaphore, #tpu.memory_space<semaphore_mem>>)
      %slice3A_198 = vector.extract_strided_slice %get3A_74 {offsets = [4], sizes = [1], strides = [1]} : vector<16xi32> to vector<1xi32>
      %squeeze3A_199 = vector.extract %slice3A_198[0] : i32 from vector<1xi32>
      %mul3A_200 = arith.constant 16 : i32
      %mul3A_201 = arith.muli %scan3A_61, %mul3A_200 : i32
      %add3A_202 = arith.constant 4 : i32
      %add3A_203 = arith.addi %mul3A_201, %add3A_202 : i32
      %dma_start3A_204 = arith.constant 0 : i32
      %dma_start3A_205 = tpu.memref_slice %arg11[%add3A_203, %dma_start3A_204] : memref<256x64xf32, #tpu.memory_space<vmem>> -> memref<1x64xf32, #tpu.memory_space<vmem>>
      %dma_start3A_206 = arith.constant 0 : i32
      %dma_start3A_207 = tpu.memref_slice %arg3[%squeeze3A_199, %dma_start3A_206] : memref<1000000x64xf32, #tpu.memory_space<hbm>> -> memref<1x64xf32, #tpu.memory_space<hbm>>
      %dma_start3A_208 = arith.constant 0 : i32
      %dma_start3A_209 = tpu.memref_slice %arg11[%add3A_203, %dma_start3A_208] : memref<256x64xf32, #tpu.memory_space<vmem>> -> memref<1x64xf32, #tpu.memory_space<vmem>>
      %dma_start3A_210 = arith.constant 0 : i32
      %dma_start3A_211 = tpu.memref_slice %arg3[%squeeze3A_199, %dma_start3A_210] : memref<1000000x64xf32, #tpu.memory_space<hbm>> -> memref<1x64xf32, #tpu.memory_space<hbm>>
      tpu.enqueue_dma source(%dma_start3A_211 : memref<1x64xf32, #tpu.memory_space<hbm>>) target(%dma_start3A_209 : memref<1x64xf32, #tpu.memory_space<vmem>>) target_semaphore(%arg12 : memref<!tpu.dma_semaphore, #tpu.memory_space<semaphore_mem>>)
      %slice3A_212 = vector.extract_strided_slice %get3A_67 {offsets = [5], sizes = [1], strides = [1]} : vector<16xi32> to vector<1xi32>
      %squeeze3A_213 = vector.extract %slice3A_212[0] : i32 from vector<1xi32>
      %mul3A_214 = arith.constant 16 : i32
      %mul3A_215 = arith.muli %scan3A_61, %mul3A_214 : i32
      %add3A_216 = arith.constant 5 : i32
      %add3A_217 = arith.addi %mul3A_215, %add3A_216 : i32
      %dma_start3A_218 = arith.constant 0 : i32
      %dma_start3A_219 = tpu.memref_slice %arg10[%add3A_217, %dma_start3A_218] : memref<256x64xf32, #tpu.memory_space<vmem>> -> memref<1x64xf32, #tpu.memory_space<vmem>>
      %dma_start3A_220 = arith.constant 0 : i32
      %dma_start3A_221 = tpu.memref_slice %arg2[%squeeze3A_213, %dma_start3A_220] : memref<1000000x64xf32, #tpu.memory_space<hbm>> -> memref<1x64xf32, #tpu.memory_space<hbm>>
      %dma_start3A_222 = arith.constant 0 : i32
      %dma_start3A_223 = tpu.memref_slice %arg10[%add3A_217, %dma_start3A_222] : memref<256x64xf32, #tpu.memory_space<vmem>> -> memref<1x64xf32, #tpu.memory_space<vmem>>
      %dma_start3A_224 = arith.constant 0 : i32
      %dma_start3A_225 = tpu.memref_slice %arg2[%squeeze3A_213, %dma_start3A_224] : memref<1000000x64xf32, #tpu.memory_space<hbm>> -> memref<1x64xf32, #tpu.memory_space<hbm>>
      tpu.enqueue_dma source(%dma_start3A_225 : memref<1x64xf32, #tpu.memory_space<hbm>>) target(%dma_start3A_223 : memref<1x64xf32, #tpu.memory_space<vmem>>) target_semaphore(%arg12 : memref<!tpu.dma_semaphore, #tpu.memory_space<semaphore_mem>>)
      %slice3A_226 = vector.extract_strided_slice %get3A_74 {offsets = [5], sizes = [1], strides = [1]} : vector<16xi32> to vector<1xi32>
      %squeeze3A_227 = vector.extract %slice3A_226[0] : i32 from vector<1xi32>
      %mul3A_228 = arith.constant 16 : i32
      %mul3A_229 = arith.muli %scan3A_61, %mul3A_228 : i32
      %add3A_230 = arith.constant 5 : i32
      %add3A_231 = arith.addi %mul3A_229, %add3A_230 : i32
      %dma_start3A_232 = arith.constant 0 : i32
      %dma_start3A_233 = tpu.memref_slice %arg11[%add3A_231, %dma_start3A_232] : memref<256x64xf32, #tpu.memory_space<vmem>> -> memref<1x64xf32, #tpu.memory_space<vmem>>
      %dma_start3A_234 = arith.constant 0 : i32
      %dma_start3A_235 = tpu.memref_slice %arg3[%squeeze3A_227, %dma_start3A_234] : memref<1000000x64xf32, #tpu.memory_space<hbm>> -> memref<1x64xf32, #tpu.memory_space<hbm>>
      %dma_start3A_236 = arith.constant 0 : i32
      %dma_start3A_237 = tpu.memref_slice %arg11[%add3A_231, %dma_start3A_236] : memref<256x64xf32, #tpu.memory_space<vmem>> -> memref<1x64xf32, #tpu.memory_space<vmem>>
      %dma_start3A_238 = arith.constant 0 : i32
      %dma_start3A_239 = tpu.memref_slice %arg3[%squeeze3A_227, %dma_start3A_238] : memref<1000000x64xf32, #tpu.memory_space<hbm>> -> memref<1x64xf32, #tpu.memory_space<hbm>>
      tpu.enqueue_dma source(%dma_start3A_239 : memref<1x64xf32, #tpu.memory_space<hbm>>) target(%dma_start3A_237 : memref<1x64xf32, #tpu.memory_space<vmem>>) target_semaphore(%arg12 : memref<!tpu.dma_semaphore, #tpu.memory_space<semaphore_mem>>)
      %slice3A_240 = vector.extract_strided_slice %get3A_67 {offsets = [6], sizes = [1], strides = [1]} : vector<16xi32> to vector<1xi32>
      %squeeze3A_241 = vector.extract %slice3A_240[0] : i32 from vector<1xi32>
      %mul3A_242 = arith.constant 16 : i32
      %mul3A_243 = arith.muli %scan3A_61, %mul3A_242 : i32
      %add3A_244 = arith.constant 6 : i32
      %add3A_245 = arith.addi %mul3A_243, %add3A_244 : i32
      %dma_start3A_246 = arith.constant 0 : i32
      %dma_start3A_247 = tpu.memref_slice %arg10[%add3A_245, %dma_start3A_246] : memref<256x64xf32, #tpu.memory_space<vmem>> -> memref<1x64xf32, #tpu.memory_space<vmem>>
      %dma_start3A_248 = arith.constant 0 : i32
      %dma_start3A_249 = tpu.memref_slice %arg2[%squeeze3A_241, %dma_start3A_248] : memref<1000000x64xf32, #tpu.memory_space<hbm>> -> memref<1x64xf32, #tpu.memory_space<hbm>>
      %dma_start3A_250 = arith.constant 0 : i32
      %dma_start3A_251 = tpu.memref_slice %arg10[%add3A_245, %dma_start3A_250] : memref<256x64xf32, #tpu.memory_space<vmem>> -> memref<1x64xf32, #tpu.memory_space<vmem>>
      %dma_start3A_252 = arith.constant 0 : i32
      %dma_start3A_253 = tpu.memref_slice %arg2[%squeeze3A_241, %dma_start3A_252] : memref<1000000x64xf32, #tpu.memory_space<hbm>> -> memref<1x64xf32, #tpu.memory_space<hbm>>
      tpu.enqueue_dma source(%dma_start3A_253 : memref<1x64xf32, #tpu.memory_space<hbm>>) target(%dma_start3A_251 : memref<1x64xf32, #tpu.memory_space<vmem>>) target_semaphore(%arg12 : memref<!tpu.dma_semaphore, #tpu.memory_space<semaphore_mem>>)
      %slice3A_254 = vector.extract_strided_slice %get3A_74 {offsets = [6], sizes = [1], strides = [1]} : vector<16xi32> to vector<1xi32>
      %squeeze3A_255 = vector.extract %slice3A_254[0] : i32 from vector<1xi32>
      %mul3A_256 = arith.constant 16 : i32
      %mul3A_257 = arith.muli %scan3A_61, %mul3A_256 : i32
      %add3A_258 = arith.constant 6 : i32
      %add3A_259 = arith.addi %mul3A_257, %add3A_258 : i32
      %dma_start3A_260 = arith.constant 0 : i32
      %dma_start3A_261 = tpu.memref_slice %arg11[%add3A_259, %dma_start3A_260] : memref<256x64xf32, #tpu.memory_space<vmem>> -> memref<1x64xf32, #tpu.memory_space<vmem>>
      %dma_start3A_262 = arith.constant 0 : i32
      %dma_start3A_263 = tpu.memref_slice %arg3[%squeeze3A_255, %dma_start3A_262] : memref<1000000x64xf32, #tpu.memory_space<hbm>> -> memref<1x64xf32, #tpu.memory_space<hbm>>
      %dma_start3A_264 = arith.constant 0 : i32
      %dma_start3A_265 = tpu.memref_slice %arg11[%add3A_259, %dma_start3A_264] : memref<256x64xf32, #tpu.memory_space<vmem>> -> memref<1x64xf32, #tpu.memory_space<vmem>>
      %dma_start3A_266 = arith.constant 0 : i32
      %dma_start3A_267 = tpu.memref_slice %arg3[%squeeze3A_255, %dma_start3A_266] : memref<1000000x64xf32, #tpu.memory_space<hbm>> -> memref<1x64xf32, #tpu.memory_space<hbm>>
      tpu.enqueue_dma source(%dma_start3A_267 : memref<1x64xf32, #tpu.memory_space<hbm>>) target(%dma_start3A_265 : memref<1x64xf32, #tpu.memory_space<vmem>>) target_semaphore(%arg12 : memref<!tpu.dma_semaphore, #tpu.memory_space<semaphore_mem>>)
      %slice3A_268 = vector.extract_strided_slice %get3A_67 {offsets = [7], sizes = [1], strides = [1]} : vector<16xi32> to vector<1xi32>
      %squeeze3A_269 = vector.extract %slice3A_268[0] : i32 from vector<1xi32>
      %mul3A_270 = arith.constant 16 : i32
      %mul3A_271 = arith.muli %scan3A_61, %mul3A_270 : i32
      %add3A_272 = arith.constant 7 : i32
      %add3A_273 = arith.addi %mul3A_271, %add3A_272 : i32
      %dma_start3A_274 = arith.constant 0 : i32
      %dma_start3A_275 = tpu.memref_slice %arg10[%add3A_273, %dma_start3A_274] : memref<256x64xf32, #tpu.memory_space<vmem>> -> memref<1x64xf32, #tpu.memory_space<vmem>>
      %dma_start3A_276 = arith.constant 0 : i32
      %dma_start3A_277 = tpu.memref_slice %arg2[%squeeze3A_269, %dma_start3A_276] : memref<1000000x64xf32, #tpu.memory_space<hbm>> -> memref<1x64xf32, #tpu.memory_space<hbm>>
      %dma_start3A_278 = arith.constant 0 : i32
      %dma_start3A_279 = tpu.memref_slice %arg10[%add3A_273, %dma_start3A_278] : memref<256x64xf32, #tpu.memory_space<vmem>> -> memref<1x64xf32, #tpu.memory_space<vmem>>
      %dma_start3A_280 = arith.constant 0 : i32
      %dma_start3A_281 = tpu.memref_slice %arg2[%squeeze3A_269, %dma_start3A_280] : memref<1000000x64xf32, #tpu.memory_space<hbm>> -> memref<1x64xf32, #tpu.memory_space<hbm>>
      tpu.enqueue_dma source(%dma_start3A_281 : memref<1x64xf32, #tpu.memory_space<hbm>>) target(%dma_start3A_279 : memref<1x64xf32, #tpu.memory_space<vmem>>) target_semaphore(%arg12 : memref<!tpu.dma_semaphore, #tpu.memory_space<semaphore_mem>>)
      %slice3A_282 = vector.extract_strided_slice %get3A_74 {offsets = [7], sizes = [1], strides = [1]} : vector<16xi32> to vector<1xi32>
      %squeeze3A_283 = vector.extract %slice3A_282[0] : i32 from vector<1xi32>
      %mul3A_284 = arith.constant 16 : i32
      %mul3A_285 = arith.muli %scan3A_61, %mul3A_284 : i32
      %add3A_286 = arith.constant 7 : i32
      %add3A_287 = arith.addi %mul3A_285, %add3A_286 : i32
      %dma_start3A_288 = arith.constant 0 : i32
      %dma_start3A_289 = tpu.memref_slice %arg11[%add3A_287, %dma_start3A_288] : memref<256x64xf32, #tpu.memory_space<vmem>> -> memref<1x64xf32, #tpu.memory_space<vmem>>
      %dma_start3A_290 = arith.constant 0 : i32
      %dma_start3A_291 = tpu.memref_slice %arg3[%squeeze3A_283, %dma_start3A_290] : memref<1000000x64xf32, #tpu.memory_space<hbm>> -> memref<1x64xf32, #tpu.memory_space<hbm>>
      %dma_start3A_292 = arith.constant 0 : i32
      %dma_start3A_293 = tpu.memref_slice %arg11[%add3A_287, %dma_start3A_292] : memref<256x64xf32, #tpu.memory_space<vmem>> -> memref<1x64xf32, #tpu.memory_space<vmem>>
      %dma_start3A_294 = arith.constant 0 : i32
      %dma_start3A_295 = tpu.memref_slice %arg3[%squeeze3A_283, %dma_start3A_294] : memref<1000000x64xf32, #tpu.memory_space<hbm>> -> memref<1x64xf32, #tpu.memory_space<hbm>>
      tpu.enqueue_dma source(%dma_start3A_295 : memref<1x64xf32, #tpu.memory_space<hbm>>) target(%dma_start3A_293 : memref<1x64xf32, #tpu.memory_space<vmem>>) target_semaphore(%arg12 : memref<!tpu.dma_semaphore, #tpu.memory_space<semaphore_mem>>)
      %slice3A_296 = vector.extract_strided_slice %get3A_67 {offsets = [8], sizes = [1], strides = [1]} : vector<16xi32> to vector<1xi32>
      %squeeze3A_297 = vector.extract %slice3A_296[0] : i32 from vector<1xi32>
      %mul3A_298 = arith.constant 16 : i32
      %mul3A_299 = arith.muli %scan3A_61, %mul3A_298 : i32
      %add3A_300 = arith.constant 8 : i32
      %add3A_301 = arith.addi %mul3A_299, %add3A_300 : i32
      %dma_start3A_302 = arith.constant 0 : i32
      %dma_start3A_303 = tpu.memref_slice %arg10[%add3A_301, %dma_start3A_302] : memref<256x64xf32, #tpu.memory_space<vmem>> -> memref<1x64xf32, #tpu.memory_space<vmem>>
      %dma_start3A_304 = arith.constant 0 : i32
      %dma_start3A_305 = tpu.memref_slice %arg2[%squeeze3A_297, %dma_start3A_304] : memref<1000000x64xf32, #tpu.memory_space<hbm>> -> memref<1x64xf32, #tpu.memory_space<hbm>>
      %dma_start3A_306 = arith.constant 0 : i32
      %dma_start3A_307 = tpu.memref_slice %arg10[%add3A_301, %dma_start3A_306] : memref<256x64xf32, #tpu.memory_space<vmem>> -> memref<1x64xf32, #tpu.memory_space<vmem>>
      %dma_start3A_308 = arith.constant 0 : i32
      %dma_start3A_309 = tpu.memref_slice %arg2[%squeeze3A_297, %dma_start3A_308] : memref<1000000x64xf32, #tpu.memory_space<hbm>> -> memref<1x64xf32, #tpu.memory_space<hbm>>
      tpu.enqueue_dma source(%dma_start3A_309 : memref<1x64xf32, #tpu.memory_space<hbm>>) target(%dma_start3A_307 : memref<1x64xf32, #tpu.memory_space<vmem>>) target_semaphore(%arg12 : memref<!tpu.dma_semaphore, #tpu.memory_space<semaphore_mem>>)
      %slice3A_310 = vector.extract_strided_slice %get3A_74 {offsets = [8], sizes = [1], strides = [1]} : vector<16xi32> to vector<1xi32>
      %squeeze3A_311 = vector.extract %slice3A_310[0] : i32 from vector<1xi32>
      %mul3A_312 = arith.constant 16 : i32
      %mul3A_313 = arith.muli %scan3A_61, %mul3A_312 : i32
      %add3A_314 = arith.constant 8 : i32
      %add3A_315 = arith.addi %mul3A_313, %add3A_314 : i32
      %dma_start3A_316 = arith.constant 0 : i32
      %dma_start3A_317 = tpu.memref_slice %arg11[%add3A_315, %dma_start3A_316] : memref<256x64xf32, #tpu.memory_space<vmem>> -> memref<1x64xf32, #tpu.memory_space<vmem>>
      %dma_start3A_318 = arith.constant 0 : i32
      %dma_start3A_319 = tpu.memref_slice %arg3[%squeeze3A_311, %dma_start3A_318] : memref<1000000x64xf32, #tpu.memory_space<hbm>> -> memref<1x64xf32, #tpu.memory_space<hbm>>
      %dma_start3A_320 = arith.constant 0 : i32
      %dma_start3A_321 = tpu.memref_slice %arg11[%add3A_315, %dma_start3A_320] : memref<256x64xf32, #tpu.memory_space<vmem>> -> memref<1x64xf32, #tpu.memory_space<vmem>>
      %dma_start3A_322 = arith.constant 0 : i32
      %dma_start3A_323 = tpu.memref_slice %arg3[%squeeze3A_311, %dma_start3A_322] : memref<1000000x64xf32, #tpu.memory_space<hbm>> -> memref<1x64xf32, #tpu.memory_space<hbm>>
      tpu.enqueue_dma source(%dma_start3A_323 : memref<1x64xf32, #tpu.memory_space<hbm>>) target(%dma_start3A_321 : memref<1x64xf32, #tpu.memory_space<vmem>>) target_semaphore(%arg12 : memref<!tpu.dma_semaphore, #tpu.memory_space<semaphore_mem>>)
      %slice3A_324 = vector.extract_strided_slice %get3A_67 {offsets = [9], sizes = [1], strides = [1]} : vector<16xi32> to vector<1xi32>
      %squeeze3A_325 = vector.extract %slice3A_324[0] : i32 from vector<1xi32>
      %mul3A_326 = arith.constant 16 : i32
      %mul3A_327 = arith.muli %scan3A_61, %mul3A_326 : i32
      %add3A_328 = arith.constant 9 : i32
      %add3A_329 = arith.addi %mul3A_327, %add3A_328 : i32
      %dma_start3A_330 = arith.constant 0 : i32
      %dma_start3A_331 = tpu.memref_slice %arg10[%add3A_329, %dma_start3A_330] : memref<256x64xf32, #tpu.memory_space<vmem>> -> memref<1x64xf32, #tpu.memory_space<vmem>>
      %dma_start3A_332 = arith.constant 0 : i32
      %dma_start3A_333 = tpu.memref_slice %arg2[%squeeze3A_325, %dma_start3A_332] : memref<1000000x64xf32, #tpu.memory_space<hbm>> -> memref<1x64xf32, #tpu.memory_space<hbm>>
      %dma_start3A_334 = arith.constant 0 : i32
      %dma_start3A_335 = tpu.memref_slice %arg10[%add3A_329, %dma_start3A_334] : memref<256x64xf32, #tpu.memory_space<vmem>> -> memref<1x64xf32, #tpu.memory_space<vmem>>
      %dma_start3A_336 = arith.constant 0 : i32
      %dma_start3A_337 = tpu.memref_slice %arg2[%squeeze3A_325, %dma_start3A_336] : memref<1000000x64xf32, #tpu.memory_space<hbm>> -> memref<1x64xf32, #tpu.memory_space<hbm>>
      tpu.enqueue_dma source(%dma_start3A_337 : memref<1x64xf32, #tpu.memory_space<hbm>>) target(%dma_start3A_335 : memref<1x64xf32, #tpu.memory_space<vmem>>) target_semaphore(%arg12 : memref<!tpu.dma_semaphore, #tpu.memory_space<semaphore_mem>>)
      %slice3A_338 = vector.extract_strided_slice %get3A_74 {offsets = [9], sizes = [1], strides = [1]} : vector<16xi32> to vector<1xi32>
      %squeeze3A_339 = vector.extract %slice3A_338[0] : i32 from vector<1xi32>
      %mul3A_340 = arith.constant 16 : i32
      %mul3A_341 = arith.muli %scan3A_61, %mul3A_340 : i32
      %add3A_342 = arith.constant 9 : i32
      %add3A_343 = arith.addi %mul3A_341, %add3A_342 : i32
      %dma_start3A_344 = arith.constant 0 : i32
      %dma_start3A_345 = tpu.memref_slice %arg11[%add3A_343, %dma_start3A_344] : memref<256x64xf32, #tpu.memory_space<vmem>> -> memref<1x64xf32, #tpu.memory_space<vmem>>
      %dma_start3A_346 = arith.constant 0 : i32
      %dma_start3A_347 = tpu.memref_slice %arg3[%squeeze3A_339, %dma_start3A_346] : memref<1000000x64xf32, #tpu.memory_space<hbm>> -> memref<1x64xf32, #tpu.memory_space<hbm>>
      %dma_start3A_348 = arith.constant 0 : i32
      %dma_start3A_349 = tpu.memref_slice %arg11[%add3A_343, %dma_start3A_348] : memref<256x64xf32, #tpu.memory_space<vmem>> -> memref<1x64xf32, #tpu.memory_space<vmem>>
      %dma_start3A_350 = arith.constant 0 : i32
      %dma_start3A_351 = tpu.memref_slice %arg3[%squeeze3A_339, %dma_start3A_350] : memref<1000000x64xf32, #tpu.memory_space<hbm>> -> memref<1x64xf32, #tpu.memory_space<hbm>>
      tpu.enqueue_dma source(%dma_start3A_351 : memref<1x64xf32, #tpu.memory_space<hbm>>) target(%dma_start3A_349 : memref<1x64xf32, #tpu.memory_space<vmem>>) target_semaphore(%arg12 : memref<!tpu.dma_semaphore, #tpu.memory_space<semaphore_mem>>)
      %slice3A_352 = vector.extract_strided_slice %get3A_67 {offsets = [10], sizes = [1], strides = [1]} : vector<16xi32> to vector<1xi32>
      %squeeze3A_353 = vector.extract %slice3A_352[0] : i32 from vector<1xi32>
      %mul3A_354 = arith.constant 16 : i32
      %mul3A_355 = arith.muli %scan3A_61, %mul3A_354 : i32
      %add3A_356 = arith.constant 10 : i32
      %add3A_357 = arith.addi %mul3A_355, %add3A_356 : i32
      %dma_start3A_358 = arith.constant 0 : i32
      %dma_start3A_359 = tpu.memref_slice %arg10[%add3A_357, %dma_start3A_358] : memref<256x64xf32, #tpu.memory_space<vmem>> -> memref<1x64xf32, #tpu.memory_space<vmem>>
      %dma_start3A_360 = arith.constant 0 : i32
      %dma_start3A_361 = tpu.memref_slice %arg2[%squeeze3A_353, %dma_start3A_360] : memref<1000000x64xf32, #tpu.memory_space<hbm>> -> memref<1x64xf32, #tpu.memory_space<hbm>>
      %dma_start3A_362 = arith.constant 0 : i32
      %dma_start3A_363 = tpu.memref_slice %arg10[%add3A_357, %dma_start3A_362] : memref<256x64xf32, #tpu.memory_space<vmem>> -> memref<1x64xf32, #tpu.memory_space<vmem>>
      %dma_start3A_364 = arith.constant 0 : i32
      %dma_start3A_365 = tpu.memref_slice %arg2[%squeeze3A_353, %dma_start3A_364] : memref<1000000x64xf32, #tpu.memory_space<hbm>> -> memref<1x64xf32, #tpu.memory_space<hbm>>
      tpu.enqueue_dma source(%dma_start3A_365 : memref<1x64xf32, #tpu.memory_space<hbm>>) target(%dma_start3A_363 : memref<1x64xf32, #tpu.memory_space<vmem>>) target_semaphore(%arg12 : memref<!tpu.dma_semaphore, #tpu.memory_space<semaphore_mem>>)
      %slice3A_366 = vector.extract_strided_slice %get3A_74 {offsets = [10], sizes = [1], strides = [1]} : vector<16xi32> to vector<1xi32>
      %squeeze3A_367 = vector.extract %slice3A_366[0] : i32 from vector<1xi32>
      %mul3A_368 = arith.constant 16 : i32
      %mul3A_369 = arith.muli %scan3A_61, %mul3A_368 : i32
      %add3A_370 = arith.constant 10 : i32
      %add3A_371 = arith.addi %mul3A_369, %add3A_370 : i32
      %dma_start3A_372 = arith.constant 0 : i32
      %dma_start3A_373 = tpu.memref_slice %arg11[%add3A_371, %dma_start3A_372] : memref<256x64xf32, #tpu.memory_space<vmem>> -> memref<1x64xf32, #tpu.memory_space<vmem>>
      %dma_start3A_374 = arith.constant 0 : i32
      %dma_start3A_375 = tpu.memref_slice %arg3[%squeeze3A_367, %dma_start3A_374] : memref<1000000x64xf32, #tpu.memory_space<hbm>> -> memref<1x64xf32, #tpu.memory_space<hbm>>
      %dma_start3A_376 = arith.constant 0 : i32
      %dma_start3A_377 = tpu.memref_slice %arg11[%add3A_371, %dma_start3A_376] : memref<256x64xf32, #tpu.memory_space<vmem>> -> memref<1x64xf32, #tpu.memory_space<vmem>>
      %dma_start3A_378 = arith.constant 0 : i32
      %dma_start3A_379 = tpu.memref_slice %arg3[%squeeze3A_367, %dma_start3A_378] : memref<1000000x64xf32, #tpu.memory_space<hbm>> -> memref<1x64xf32, #tpu.memory_space<hbm>>
      tpu.enqueue_dma source(%dma_start3A_379 : memref<1x64xf32, #tpu.memory_space<hbm>>) target(%dma_start3A_377 : memref<1x64xf32, #tpu.memory_space<vmem>>) target_semaphore(%arg12 : memref<!tpu.dma_semaphore, #tpu.memory_space<semaphore_mem>>)
      %slice3A_380 = vector.extract_strided_slice %get3A_67 {offsets = [11], sizes = [1], strides = [1]} : vector<16xi32> to vector<1xi32>
      %squeeze3A_381 = vector.extract %slice3A_380[0] : i32 from vector<1xi32>
      %mul3A_382 = arith.constant 16 : i32
      %mul3A_383 = arith.muli %scan3A_61, %mul3A_382 : i32
      %add3A_384 = arith.constant 11 : i32
      %add3A_385 = arith.addi %mul3A_383, %add3A_384 : i32
      %dma_start3A_386 = arith.constant 0 : i32
      %dma_start3A_387 = tpu.memref_slice %arg10[%add3A_385, %dma_start3A_386] : memref<256x64xf32, #tpu.memory_space<vmem>> -> memref<1x64xf32, #tpu.memory_space<vmem>>
      %dma_start3A_388 = arith.constant 0 : i32
      %dma_start3A_389 = tpu.memref_slice %arg2[%squeeze3A_381, %dma_start3A_388] : memref<1000000x64xf32, #tpu.memory_space<hbm>> -> memref<1x64xf32, #tpu.memory_space<hbm>>
      %dma_start3A_390 = arith.constant 0 : i32
      %dma_start3A_391 = tpu.memref_slice %arg10[%add3A_385, %dma_start3A_390] : memref<256x64xf32, #tpu.memory_space<vmem>> -> memref<1x64xf32, #tpu.memory_space<vmem>>
      %dma_start3A_392 = arith.constant 0 : i32
      %dma_start3A_393 = tpu.memref_slice %arg2[%squeeze3A_381, %dma_start3A_392] : memref<1000000x64xf32, #tpu.memory_space<hbm>> -> memref<1x64xf32, #tpu.memory_space<hbm>>
      tpu.enqueue_dma source(%dma_start3A_393 : memref<1x64xf32, #tpu.memory_space<hbm>>) target(%dma_start3A_391 : memref<1x64xf32, #tpu.memory_space<vmem>>) target_semaphore(%arg12 : memref<!tpu.dma_semaphore, #tpu.memory_space<semaphore_mem>>)
      %slice3A_394 = vector.extract_strided_slice %get3A_74 {offsets = [11], sizes = [1], strides = [1]} : vector<16xi32> to vector<1xi32>
      %squeeze3A_395 = vector.extract %slice3A_394[0] : i32 from vector<1xi32>
      %mul3A_396 = arith.constant 16 : i32
      %mul3A_397 = arith.muli %scan3A_61, %mul3A_396 : i32
      %add3A_398 = arith.constant 11 : i32
      %add3A_399 = arith.addi %mul3A_397, %add3A_398 : i32
      %dma_start3A_400 = arith.constant 0 : i32
      %dma_start3A_401 = tpu.memref_slice %arg11[%add3A_399, %dma_start3A_400] : memref<256x64xf32, #tpu.memory_space<vmem>> -> memref<1x64xf32, #tpu.memory_space<vmem>>
      %dma_start3A_402 = arith.constant 0 : i32
      %dma_start3A_403 = tpu.memref_slice %arg3[%squeeze3A_395, %dma_start3A_402] : memref<1000000x64xf32, #tpu.memory_space<hbm>> -> memref<1x64xf32, #tpu.memory_space<hbm>>
      %dma_start3A_404 = arith.constant 0 : i32
      %dma_start3A_405 = tpu.memref_slice %arg11[%add3A_399, %dma_start3A_404] : memref<256x64xf32, #tpu.memory_space<vmem>> -> memref<1x64xf32, #tpu.memory_space<vmem>>
      %dma_start3A_406 = arith.constant 0 : i32
      %dma_start3A_407 = tpu.memref_slice %arg3[%squeeze3A_395, %dma_start3A_406] : memref<1000000x64xf32, #tpu.memory_space<hbm>> -> memref<1x64xf32, #tpu.memory_space<hbm>>
      tpu.enqueue_dma source(%dma_start3A_407 : memref<1x64xf32, #tpu.memory_space<hbm>>) target(%dma_start3A_405 : memref<1x64xf32, #tpu.memory_space<vmem>>) target_semaphore(%arg12 : memref<!tpu.dma_semaphore, #tpu.memory_space<semaphore_mem>>)
      %slice3A_408 = vector.extract_strided_slice %get3A_67 {offsets = [12], sizes = [1], strides = [1]} : vector<16xi32> to vector<1xi32>
      %squeeze3A_409 = vector.extract %slice3A_408[0] : i32 from vector<1xi32>
      %mul3A_410 = arith.constant 16 : i32
      %mul3A_411 = arith.muli %scan3A_61, %mul3A_410 : i32
      %add3A_412 = arith.constant 12 : i32
      %add3A_413 = arith.addi %mul3A_411, %add3A_412 : i32
      %dma_start3A_414 = arith.constant 0 : i32
      %dma_start3A_415 = tpu.memref_slice %arg10[%add3A_413, %dma_start3A_414] : memref<256x64xf32, #tpu.memory_space<vmem>> -> memref<1x64xf32, #tpu.memory_space<vmem>>
      %dma_start3A_416 = arith.constant 0 : i32
      %dma_start3A_417 = tpu.memref_slice %arg2[%squeeze3A_409, %dma_start3A_416] : memref<1000000x64xf32, #tpu.memory_space<hbm>> -> memref<1x64xf32, #tpu.memory_space<hbm>>
      %dma_start3A_418 = arith.constant 0 : i32
      %dma_start3A_419 = tpu.memref_slice %arg10[%add3A_413, %dma_start3A_418] : memref<256x64xf32, #tpu.memory_space<vmem>> -> memref<1x64xf32, #tpu.memory_space<vmem>>
      %dma_start3A_420 = arith.constant 0 : i32
      %dma_start3A_421 = tpu.memref_slice %arg2[%squeeze3A_409, %dma_start3A_420] : memref<1000000x64xf32, #tpu.memory_space<hbm>> -> memref<1x64xf32, #tpu.memory_space<hbm>>
      tpu.enqueue_dma source(%dma_start3A_421 : memref<1x64xf32, #tpu.memory_space<hbm>>) target(%dma_start3A_419 : memref<1x64xf32, #tpu.memory_space<vmem>>) target_semaphore(%arg12 : memref<!tpu.dma_semaphore, #tpu.memory_space<semaphore_mem>>)
      %slice3A_422 = vector.extract_strided_slice %get3A_74 {offsets = [12], sizes = [1], strides = [1]} : vector<16xi32> to vector<1xi32>
      %squeeze3A_423 = vector.extract %slice3A_422[0] : i32 from vector<1xi32>
      %mul3A_424 = arith.constant 16 : i32
      %mul3A_425 = arith.muli %scan3A_61, %mul3A_424 : i32
      %add3A_426 = arith.constant 12 : i32
      %add3A_427 = arith.addi %mul3A_425, %add3A_426 : i32
      %dma_start3A_428 = arith.constant 0 : i32
      %dma_start3A_429 = tpu.memref_slice %arg11[%add3A_427, %dma_start3A_428] : memref<256x64xf32, #tpu.memory_space<vmem>> -> memref<1x64xf32, #tpu.memory_space<vmem>>
      %dma_start3A_430 = arith.constant 0 : i32
      %dma_start3A_431 = tpu.memref_slice %arg3[%squeeze3A_423, %dma_start3A_430] : memref<1000000x64xf32, #tpu.memory_space<hbm>> -> memref<1x64xf32, #tpu.memory_space<hbm>>
      %dma_start3A_432 = arith.constant 0 : i32
      %dma_start3A_433 = tpu.memref_slice %arg11[%add3A_427, %dma_start3A_432] : memref<256x64xf32, #tpu.memory_space<vmem>> -> memref<1x64xf32, #tpu.memory_space<vmem>>
      %dma_start3A_434 = arith.constant 0 : i32
      %dma_start3A_435 = tpu.memref_slice %arg3[%squeeze3A_423, %dma_start3A_434] : memref<1000000x64xf32, #tpu.memory_space<hbm>> -> memref<1x64xf32, #tpu.memory_space<hbm>>
      tpu.enqueue_dma source(%dma_start3A_435 : memref<1x64xf32, #tpu.memory_space<hbm>>) target(%dma_start3A_433 : memref<1x64xf32, #tpu.memory_space<vmem>>) target_semaphore(%arg12 : memref<!tpu.dma_semaphore, #tpu.memory_space<semaphore_mem>>)
      %slice3A_436 = vector.extract_strided_slice %get3A_67 {offsets = [13], sizes = [1], strides = [1]} : vector<16xi32> to vector<1xi32>
      %squeeze3A_437 = vector.extract %slice3A_436[0] : i32 from vector<1xi32>
      %mul3A_438 = arith.constant 16 : i32
      %mul3A_439 = arith.muli %scan3A_61, %mul3A_438 : i32
      %add3A_440 = arith.constant 13 : i32
      %add3A_441 = arith.addi %mul3A_439, %add3A_440 : i32
      %dma_start3A_442 = arith.constant 0 : i32
      %dma_start3A_443 = tpu.memref_slice %arg10[%add3A_441, %dma_start3A_442] : memref<256x64xf32, #tpu.memory_space<vmem>> -> memref<1x64xf32, #tpu.memory_space<vmem>>
      %dma_start3A_444 = arith.constant 0 : i32
      %dma_start3A_445 = tpu.memref_slice %arg2[%squeeze3A_437, %dma_start3A_444] : memref<1000000x64xf32, #tpu.memory_space<hbm>> -> memref<1x64xf32, #tpu.memory_space<hbm>>
      %dma_start3A_446 = arith.constant 0 : i32
      %dma_start3A_447 = tpu.memref_slice %arg10[%add3A_441, %dma_start3A_446] : memref<256x64xf32, #tpu.memory_space<vmem>> -> memref<1x64xf32, #tpu.memory_space<vmem>>
      %dma_start3A_448 = arith.constant 0 : i32
      %dma_start3A_449 = tpu.memref_slice %arg2[%squeeze3A_437, %dma_start3A_448] : memref<1000000x64xf32, #tpu.memory_space<hbm>> -> memref<1x64xf32, #tpu.memory_space<hbm>>
      tpu.enqueue_dma source(%dma_start3A_449 : memref<1x64xf32, #tpu.memory_space<hbm>>) target(%dma_start3A_447 : memref<1x64xf32, #tpu.memory_space<vmem>>) target_semaphore(%arg12 : memref<!tpu.dma_semaphore, #tpu.memory_space<semaphore_mem>>)
      %slice3A_450 = vector.extract_strided_slice %get3A_74 {offsets = [13], sizes = [1], strides = [1]} : vector<16xi32> to vector<1xi32>
      %squeeze3A_451 = vector.extract %slice3A_450[0] : i32 from vector<1xi32>
      %mul3A_452 = arith.constant 16 : i32
      %mul3A_453 = arith.muli %scan3A_61, %mul3A_452 : i32
      %add3A_454 = arith.constant 13 : i32
      %add3A_455 = arith.addi %mul3A_453, %add3A_454 : i32
      %dma_start3A_456 = arith.constant 0 : i32
      %dma_start3A_457 = tpu.memref_slice %arg11[%add3A_455, %dma_start3A_456] : memref<256x64xf32, #tpu.memory_space<vmem>> -> memref<1x64xf32, #tpu.memory_space<vmem>>
      %dma_start3A_458 = arith.constant 0 : i32
      %dma_start3A_459 = tpu.memref_slice %arg3[%squeeze3A_451, %dma_start3A_458] : memref<1000000x64xf32, #tpu.memory_space<hbm>> -> memref<1x64xf32, #tpu.memory_space<hbm>>
      %dma_start3A_460 = arith.constant 0 : i32
      %dma_start3A_461 = tpu.memref_slice %arg11[%add3A_455, %dma_start3A_460] : memref<256x64xf32, #tpu.memory_space<vmem>> -> memref<1x64xf32, #tpu.memory_space<vmem>>
      %dma_start3A_462 = arith.constant 0 : i32
      %dma_start3A_463 = tpu.memref_slice %arg3[%squeeze3A_451, %dma_start3A_462] : memref<1000000x64xf32, #tpu.memory_space<hbm>> -> memref<1x64xf32, #tpu.memory_space<hbm>>
      tpu.enqueue_dma source(%dma_start3A_463 : memref<1x64xf32, #tpu.memory_space<hbm>>) target(%dma_start3A_461 : memref<1x64xf32, #tpu.memory_space<vmem>>) target_semaphore(%arg12 : memref<!tpu.dma_semaphore, #tpu.memory_space<semaphore_mem>>)
      %slice3A_464 = vector.extract_strided_slice %get3A_67 {offsets = [14], sizes = [1], strides = [1]} : vector<16xi32> to vector<1xi32>
      %squeeze3A_465 = vector.extract %slice3A_464[0] : i32 from vector<1xi32>
      %mul3A_466 = arith.constant 16 : i32
      %mul3A_467 = arith.muli %scan3A_61, %mul3A_466 : i32
      %add3A_468 = arith.constant 14 : i32
      %add3A_469 = arith.addi %mul3A_467, %add3A_468 : i32
      %dma_start3A_470 = arith.constant 0 : i32
      %dma_start3A_471 = tpu.memref_slice %arg10[%add3A_469, %dma_start3A_470] : memref<256x64xf32, #tpu.memory_space<vmem>> -> memref<1x64xf32, #tpu.memory_space<vmem>>
      %dma_start3A_472 = arith.constant 0 : i32
      %dma_start3A_473 = tpu.memref_slice %arg2[%squeeze3A_465, %dma_start3A_472] : memref<1000000x64xf32, #tpu.memory_space<hbm>> -> memref<1x64xf32, #tpu.memory_space<hbm>>
      %dma_start3A_474 = arith.constant 0 : i32
      %dma_start3A_475 = tpu.memref_slice %arg10[%add3A_469, %dma_start3A_474] : memref<256x64xf32, #tpu.memory_space<vmem>> -> memref<1x64xf32, #tpu.memory_space<vmem>>
      %dma_start3A_476 = arith.constant 0 : i32
      %dma_start3A_477 = tpu.memref_slice %arg2[%squeeze3A_465, %dma_start3A_476] : memref<1000000x64xf32, #tpu.memory_space<hbm>> -> memref<1x64xf32, #tpu.memory_space<hbm>>
      tpu.enqueue_dma source(%dma_start3A_477 : memref<1x64xf32, #tpu.memory_space<hbm>>) target(%dma_start3A_475 : memref<1x64xf32, #tpu.memory_space<vmem>>) target_semaphore(%arg12 : memref<!tpu.dma_semaphore, #tpu.memory_space<semaphore_mem>>)
      %slice3A_478 = vector.extract_strided_slice %get3A_74 {offsets = [14], sizes = [1], strides = [1]} : vector<16xi32> to vector<1xi32>
      %squeeze3A_479 = vector.extract %slice3A_478[0] : i32 from vector<1xi32>
      %mul3A_480 = arith.constant 16 : i32
      %mul3A_481 = arith.muli %scan3A_61, %mul3A_480 : i32
      %add3A_482 = arith.constant 14 : i32
      %add3A_483 = arith.addi %mul3A_481, %add3A_482 : i32
      %dma_start3A_484 = arith.constant 0 : i32
      %dma_start3A_485 = tpu.memref_slice %arg11[%add3A_483, %dma_start3A_484] : memref<256x64xf32, #tpu.memory_space<vmem>> -> memref<1x64xf32, #tpu.memory_space<vmem>>
      %dma_start3A_486 = arith.constant 0 : i32
      %dma_start3A_487 = tpu.memref_slice %arg3[%squeeze3A_479, %dma_start3A_486] : memref<1000000x64xf32, #tpu.memory_space<hbm>> -> memref<1x64xf32, #tpu.memory_space<hbm>>
      %dma_start3A_488 = arith.constant 0 : i32
      %dma_start3A_489 = tpu.memref_slice %arg11[%add3A_483, %dma_start3A_488] : memref<256x64xf32, #tpu.memory_space<vmem>> -> memref<1x64xf32, #tpu.memory_space<vmem>>
      %dma_start3A_490 = arith.constant 0 : i32
      %dma_start3A_491 = tpu.memref_slice %arg3[%squeeze3A_479, %dma_start3A_490] : memref<1000000x64xf32, #tpu.memory_space<hbm>> -> memref<1x64xf32, #tpu.memory_space<hbm>>
      tpu.enqueue_dma source(%dma_start3A_491 : memref<1x64xf32, #tpu.memory_space<hbm>>) target(%dma_start3A_489 : memref<1x64xf32, #tpu.memory_space<vmem>>) target_semaphore(%arg12 : memref<!tpu.dma_semaphore, #tpu.memory_space<semaphore_mem>>)
      %slice3A_492 = vector.extract_strided_slice %get3A_67 {offsets = [15], sizes = [1], strides = [1]} : vector<16xi32> to vector<1xi32>
      %squeeze3A_493 = vector.extract %slice3A_492[0] : i32 from vector<1xi32>
      %mul3A_494 = arith.constant 16 : i32
      %mul3A_495 = arith.muli %scan3A_61, %mul3A_494 : i32
      %add3A_496 = arith.constant 15 : i32
      %add3A_497 = arith.addi %mul3A_495, %add3A_496 : i32
      %dma_start3A_498 = arith.constant 0 : i32
      %dma_start3A_499 = tpu.memref_slice %arg10[%add3A_497, %dma_start3A_498] : memref<256x64xf32, #tpu.memory_space<vmem>> -> memref<1x64xf32, #tpu.memory_space<vmem>>
      %dma_start3A_500 = arith.constant 0 : i32
      %dma_start3A_501 = tpu.memref_slice %arg2[%squeeze3A_493, %dma_start3A_500] : memref<1000000x64xf32, #tpu.memory_space<hbm>> -> memref<1x64xf32, #tpu.memory_space<hbm>>
      %dma_start3A_502 = arith.constant 0 : i32
      %dma_start3A_503 = tpu.memref_slice %arg10[%add3A_497, %dma_start3A_502] : memref<256x64xf32, #tpu.memory_space<vmem>> -> memref<1x64xf32, #tpu.memory_space<vmem>>
      %dma_start3A_504 = arith.constant 0 : i32
      %dma_start3A_505 = tpu.memref_slice %arg2[%squeeze3A_493, %dma_start3A_504] : memref<1000000x64xf32, #tpu.memory_space<hbm>> -> memref<1x64xf32, #tpu.memory_space<hbm>>
      tpu.enqueue_dma source(%dma_start3A_505 : memref<1x64xf32, #tpu.memory_space<hbm>>) target(%dma_start3A_503 : memref<1x64xf32, #tpu.memory_space<vmem>>) target_semaphore(%arg12 : memref<!tpu.dma_semaphore, #tpu.memory_space<semaphore_mem>>)
      %slice3A_506 = vector.extract_strided_slice %get3A_74 {offsets = [15], sizes = [1], strides = [1]} : vector<16xi32> to vector<1xi32>
      %squeeze3A_507 = vector.extract %slice3A_506[0] : i32 from vector<1xi32>
      %mul3A_508 = arith.constant 16 : i32
      %mul3A_509 = arith.muli %scan3A_61, %mul3A_508 : i32
      %add3A_510 = arith.constant 15 : i32
      %add3A_511 = arith.addi %mul3A_509, %add3A_510 : i32
      %dma_start3A_512 = arith.constant 0 : i32
      %dma_start3A_513 = tpu.memref_slice %arg11[%add3A_511, %dma_start3A_512] : memref<256x64xf32, #tpu.memory_space<vmem>> -> memref<1x64xf32, #tpu.memory_space<vmem>>
      %dma_start3A_514 = arith.constant 0 : i32
      %dma_start3A_515 = tpu.memref_slice %arg3[%squeeze3A_507, %dma_start3A_514] : memref<1000000x64xf32, #tpu.memory_space<hbm>> -> memref<1x64xf32, #tpu.memory_space<hbm>>
      %dma_start3A_516 = arith.constant 0 : i32
      %dma_start3A_517 = tpu.memref_slice %arg11[%add3A_511, %dma_start3A_516] : memref<256x64xf32, #tpu.memory_space<vmem>> -> memref<1x64xf32, #tpu.memory_space<vmem>>
      %dma_start3A_518 = arith.constant 0 : i32
      %dma_start3A_519 = tpu.memref_slice %arg3[%squeeze3A_507, %dma_start3A_518] : memref<1000000x64xf32, #tpu.memory_space<hbm>> -> memref<1x64xf32, #tpu.memory_space<hbm>>
      tpu.enqueue_dma source(%dma_start3A_519 : memref<1x64xf32, #tpu.memory_space<hbm>>) target(%dma_start3A_517 : memref<1x64xf32, #tpu.memory_space<vmem>>) target_semaphore(%arg12 : memref<!tpu.dma_semaphore, #tpu.memory_space<semaphore_mem>>)
      %gt3A = arith.constant 0 : i32
      %gt3A_520 = arith.cmpi sgt, %scan3A_61, %gt3A : i32
      %convert_element_type3A = arith.extui %gt3A_520 : i1 to i32
      %cond3A = arith.constant 0 : i32
      %cond3A_521 = arith.cmpi ne, %convert_element_type3A, %cond3A : i32
      scf.if %cond3A_521 {
        %sub3A = arith.constant 1 : i32
        %sub3A_522 = arith.subi %scan3A_61, %sub3A : i32
        %mul3A_523 = arith.constant 16 : i32
        %mul3A_524 = arith.muli %sub3A_522, %mul3A_523 : i32
        %dma_wait3A_525 = arith.constant 0 : i32
        %dma_wait3A_526 = tpu.memref_slice %arg10[%mul3A_524, %dma_wait3A_525] : memref<256x64xf32, #tpu.memory_space<vmem>> -> memref<16x64xf32, #tpu.memory_space<vmem>>
        %dma_wait3A_527 = arith.constant 0 : i32
        %dma_wait3A_528 = arith.constant 0 : i32
        %dma_wait3A_529 = tpu.memref_slice %arg2[%dma_wait3A_527, %dma_wait3A_528] : memref<1000000x64xf32, #tpu.memory_space<hbm>> -> memref<16x64xf32, #tpu.memory_space<hbm>>
        %dma_wait3A_530 = arith.constant 0 : i32
        %dma_wait3A_531 = tpu.memref_slice %arg10[%mul3A_524, %dma_wait3A_530] : memref<256x64xf32, #tpu.memory_space<vmem>> -> memref<16x64xf32, #tpu.memory_space<vmem>>
        %dma_wait3A_532 = arith.constant 0 : i32
        %dma_wait3A_533 = arith.constant 0 : i32
        %dma_wait3A_534 = tpu.memref_slice %arg2[%dma_wait3A_532, %dma_wait3A_533] : memref<1000000x64xf32, #tpu.memory_space<hbm>> -> memref<16x64xf32, #tpu.memory_space<hbm>>
        tpu.wait_dma2 semaphore(%arg12 : memref<!tpu.dma_semaphore, #tpu.memory_space<semaphore_mem>>) src(%dma_wait3A_534 : memref<16x64xf32, #tpu.memory_space<hbm>>) dst(%dma_wait3A_531 : memref<16x64xf32, #tpu.memory_space<vmem>>)
        %sub3A_535 = arith.constant 1 : i32
        %sub3A_536 = arith.subi %scan3A_61, %sub3A_535 : i32
        %mul3A_537 = arith.constant 16 : i32
        %mul3A_538 = arith.muli %sub3A_536, %mul3A_537 : i32
        %dma_wait3A_539 = arith.constant 0 : i32
        %dma_wait3A_540 = tpu.memref_slice %arg11[%mul3A_538, %dma_wait3A_539] : memref<256x64xf32, #tpu.memory_space<vmem>> -> memref<16x64xf32, #tpu.memory_space<vmem>>
        %dma_wait3A_541 = arith.constant 0 : i32
        %dma_wait3A_542 = arith.constant 0 : i32
        %dma_wait3A_543 = tpu.memref_slice %arg3[%dma_wait3A_541, %dma_wait3A_542] : memref<1000000x64xf32, #tpu.memory_space<hbm>> -> memref<16x64xf32, #tpu.memory_space<hbm>>
        %dma_wait3A_544 = arith.constant 0 : i32
        %dma_wait3A_545 = tpu.memref_slice %arg11[%mul3A_538, %dma_wait3A_544] : memref<256x64xf32, #tpu.memory_space<vmem>> -> memref<16x64xf32, #tpu.memory_space<vmem>>
        %dma_wait3A_546 = arith.constant 0 : i32
        %dma_wait3A_547 = arith.constant 0 : i32
        %dma_wait3A_548 = tpu.memref_slice %arg3[%dma_wait3A_546, %dma_wait3A_547] : memref<1000000x64xf32, #tpu.memory_space<hbm>> -> memref<16x64xf32, #tpu.memory_space<hbm>>
        tpu.wait_dma2 semaphore(%arg12 : memref<!tpu.dma_semaphore, #tpu.memory_space<semaphore_mem>>) src(%dma_wait3A_548 : memref<16x64xf32, #tpu.memory_space<hbm>>) dst(%dma_wait3A_545 : memref<16x64xf32, #tpu.memory_space<vmem>>)
      } else {
      }
    }
    %scan3A_6 = arith.constant 16 : i32
    %dma_wait3A = arith.constant 240 : i32
    %dma_wait3A_7 = arith.constant 0 : i32
    %dma_wait3A_8 = tpu.memref_slice %arg10[%dma_wait3A, %dma_wait3A_7] : memref<256x64xf32, #tpu.memory_space<vmem>> -> memref<16x64xf32, #tpu.memory_space<vmem>>
    %dma_wait3A_9 = arith.constant 0 : i32
    %dma_wait3A_10 = arith.constant 0 : i32
    %dma_wait3A_11 = tpu.memref_slice %arg2[%dma_wait3A_9, %dma_wait3A_10] : memref<1000000x64xf32, #tpu.memory_space<hbm>> -> memref<16x64xf32, #tpu.memory_space<hbm>>
    %dma_wait3A_12 = arith.constant 240 : i32
    %dma_wait3A_13 = arith.constant 0 : i32
    %dma_wait3A_14 = tpu.memref_slice %arg10[%dma_wait3A_12, %dma_wait3A_13] : memref<256x64xf32, #tpu.memory_space<vmem>> -> memref<16x64xf32, #tpu.memory_space<vmem>>
    %dma_wait3A_15 = arith.constant 0 : i32
    %dma_wait3A_16 = arith.constant 0 : i32
    %dma_wait3A_17 = tpu.memref_slice %arg2[%dma_wait3A_15, %dma_wait3A_16] : memref<1000000x64xf32, #tpu.memory_space<hbm>> -> memref<16x64xf32, #tpu.memory_space<hbm>>
    tpu.wait_dma2 semaphore(%arg12 : memref<!tpu.dma_semaphore, #tpu.memory_space<semaphore_mem>>) src(%dma_wait3A_17 : memref<16x64xf32, #tpu.memory_space<hbm>>) dst(%dma_wait3A_14 : memref<16x64xf32, #tpu.memory_space<vmem>>)
    %dma_wait3A_18 = arith.constant 240 : i32
    %dma_wait3A_19 = arith.constant 0 : i32
    %dma_wait3A_20 = tpu.memref_slice %arg11[%dma_wait3A_18, %dma_wait3A_19] : memref<256x64xf32, #tpu.memory_space<vmem>> -> memref<16x64xf32, #tpu.memory_space<vmem>>
    %dma_wait3A_21 = arith.constant 0 : i32
    %dma_wait3A_22 = arith.constant 0 : i32
    %dma_wait3A_23 = tpu.memref_slice %arg3[%dma_wait3A_21, %dma_wait3A_22] : memref<1000000x64xf32, #tpu.memory_space<hbm>> -> memref<16x64xf32, #tpu.memory_space<hbm>>
    %dma_wait3A_24 = arith.constant 240 : i32
    %dma_wait3A_25 = arith.constant 0 : i32
    %dma_wait3A_26 = tpu.memref_slice %arg11[%dma_wait3A_24, %dma_wait3A_25] : memref<256x64xf32, #tpu.memory_space<vmem>> -> memref<16x64xf32, #tpu.memory_space<vmem>>
    %dma_wait3A_27 = arith.constant 0 : i32
    %dma_wait3A_28 = arith.constant 0 : i32
    %dma_wait3A_29 = tpu.memref_slice %arg3[%dma_wait3A_27, %dma_wait3A_28] : memref<1000000x64xf32, #tpu.memory_space<hbm>> -> memref<16x64xf32, #tpu.memory_space<hbm>>
    tpu.wait_dma2 semaphore(%arg12 : memref<!tpu.dma_semaphore, #tpu.memory_space<semaphore_mem>>) src(%dma_wait3A_29 : memref<16x64xf32, #tpu.memory_space<hbm>>) dst(%dma_wait3A_26 : memref<16x64xf32, #tpu.memory_space<vmem>>)
    "tpu.region"() ({
      %run_scoped3A = tpu.sem_alloc : memref<!tpu.dma_semaphore, #tpu.memory_space<semaphore_mem>>
      %dma_start3A = arith.constant 0 : i32
      %dma_start3A_61 = tpu.memref_slice %arg6[%mul3A_2, %dma_start3A] : memref<16384x64xf32, #tpu.memory_space<hbm>> -> memref<256x64xf32, #tpu.memory_space<hbm>>
      %dma_start3A_62 = arith.constant 0 : i32
      %dma_start3A_63 = tpu.memref_slice %arg6[%mul3A_2, %dma_start3A_62] : memref<16384x64xf32, #tpu.memory_space<hbm>> -> memref<256x64xf32, #tpu.memory_space<hbm>>
      tpu.enqueue_dma source(%arg10 : memref<256x64xf32, #tpu.memory_space<vmem>>) target(%dma_start3A_63 : memref<256x64xf32, #tpu.memory_space<hbm>>) target_semaphore(%run_scoped3A : memref<!tpu.dma_semaphore, #tpu.memory_space<semaphore_mem>>)
      %dma_wait3A_64 = arith.constant 0 : i32
      %dma_wait3A_65 = tpu.memref_slice %arg6[%mul3A_2, %dma_wait3A_64] : memref<16384x64xf32, #tpu.memory_space<hbm>> -> memref<256x64xf32, #tpu.memory_space<hbm>>
      %dma_wait3A_66 = arith.constant 0 : i32
      %dma_wait3A_67 = tpu.memref_slice %arg6[%mul3A_2, %dma_wait3A_66] : memref<16384x64xf32, #tpu.memory_space<hbm>> -> memref<256x64xf32, #tpu.memory_space<hbm>>
      tpu.wait_dma2 semaphore(%run_scoped3A : memref<!tpu.dma_semaphore, #tpu.memory_space<semaphore_mem>>) src(%arg10 : memref<256x64xf32, #tpu.memory_space<vmem>>) dst(%dma_wait3A_67 : memref<256x64xf32, #tpu.memory_space<hbm>>)
      tpu.yield
    }) : () -> ()
    "tpu.region"() ({
      %run_scoped3A = tpu.sem_alloc : memref<!tpu.dma_semaphore, #tpu.memory_space<semaphore_mem>>
      %dma_start3A = arith.constant 0 : i32
      %dma_start3A_61 = tpu.memref_slice %arg7[%mul3A_2, %dma_start3A] : memref<16384x64xf32, #tpu.memory_space<hbm>> -> memref<256x64xf32, #tpu.memory_space<hbm>>
      %dma_start3A_62 = arith.constant 0 : i32
      %dma_start3A_63 = tpu.memref_slice %arg7[%mul3A_2, %dma_start3A_62] : memref<16384x64xf32, #tpu.memory_space<hbm>> -> memref<256x64xf32, #tpu.memory_space<hbm>>
      tpu.enqueue_dma source(%arg11 : memref<256x64xf32, #tpu.memory_space<vmem>>) target(%dma_start3A_63 : memref<256x64xf32, #tpu.memory_space<hbm>>) target_semaphore(%run_scoped3A : memref<!tpu.dma_semaphore, #tpu.memory_space<semaphore_mem>>)
      %dma_wait3A_64 = arith.constant 0 : i32
      %dma_wait3A_65 = tpu.memref_slice %arg7[%mul3A_2, %dma_wait3A_64] : memref<16384x64xf32, #tpu.memory_space<hbm>> -> memref<256x64xf32, #tpu.memory_space<hbm>>
      %dma_wait3A_66 = arith.constant 0 : i32
      %dma_wait3A_67 = tpu.memref_slice %arg7[%mul3A_2, %dma_wait3A_66] : memref<16384x64xf32, #tpu.memory_space<hbm>> -> memref<256x64xf32, #tpu.memory_space<hbm>>
      tpu.wait_dma2 semaphore(%run_scoped3A : memref<!tpu.dma_semaphore, #tpu.memory_space<semaphore_mem>>) src(%arg11 : memref<256x64xf32, #tpu.memory_space<vmem>>) dst(%dma_wait3A_67 : memref<256x64xf32, #tpu.memory_space<hbm>>)
      tpu.yield
    }) : () -> ()
    %add3A_30 = arith.constant 256 : i32
    %add3A_31 = arith.addi %mul3A_2, %add3A_30 : i32
    %scan3A_32 = arith.constant 0 : i32
    %scan3A_33 = arith.constant 16 : i32
    %scan3A_34 = arith.addi %scan3A_32, %scan3A_33 : i32
    %scan3A_35 = arith.constant 1 : i32
    scf.for %scan3A_61 = %scan3A_32 to %scan3A_34 step %scan3A_35  : i32 {
      %mul3A_62 = arith.constant 16 : i32
      %mul3A_63 = arith.muli %scan3A_61, %mul3A_62 : i32
      %add3A_64 = arith.constant 256 : i32
      %add3A_65 = arith.addi %add3A_64, %mul3A_63 : i32
      %get3A = arith.index_cast %add3A_65 : i32 to index
      %get3A_66 = tpu.vector_load %arg8[%get3A] {strides = array<i32>} : memref<512xi32, #tpu.memory_space<vmem>>, vector<16xi32>,
      %get3A_67 = vector.shape_cast %get3A_66 : vector<16xi32> to vector<16xi32>
      %mul3A_68 = arith.constant 16 : i32
      %mul3A_69 = arith.muli %scan3A_61, %mul3A_68 : i32
      %add3A_70 = arith.constant 256 : i32
      %add3A_71 = arith.addi %add3A_70, %mul3A_69 : i32
      %get3A_72 = arith.index_cast %add3A_71 : i32 to index
      %get3A_73 = tpu.vector_load %arg9[%get3A_72] {strides = array<i32>} : memref<512xi32, #tpu.memory_space<vmem>>, vector<16xi32>,
      %get3A_74 = vector.shape_cast %get3A_73 : vector<16xi32> to vector<16xi32>
      %slice3A = vector.extract_strided_slice %get3A_67 {offsets = [0], sizes = [1], strides = [1]} : vector<16xi32> to vector<1xi32>
      %squeeze3A = vector.extract %slice3A[0] : i32 from vector<1xi32>
      %mul3A_75 = arith.constant 16 : i32
      %mul3A_76 = arith.muli %scan3A_61, %mul3A_75 : i32
      %add3A_77 = arith.constant 0 : i32
      %add3A_78 = arith.addi %mul3A_76, %add3A_77 : i32
      %dma_start3A = arith.constant 0 : i32
      %dma_start3A_79 = tpu.memref_slice %arg10[%add3A_78, %dma_start3A] : memref<256x64xf32, #tpu.memory_space<vmem>> -> memref<1x64xf32, #tpu.memory_space<vmem>>
      %dma_start3A_80 = arith.constant 0 : i32
      %dma_start3A_81 = tpu.memref_slice %arg2[%squeeze3A, %dma_start3A_80] : memref<1000000x64xf32, #tpu.memory_space<hbm>> -> memref<1x64xf32, #tpu.memory_space<hbm>>
      %dma_start3A_82 = arith.constant 0 : i32
      %dma_start3A_83 = tpu.memref_slice %arg10[%add3A_78, %dma_start3A_82] : memref<256x64xf32, #tpu.memory_space<vmem>> -> memref<1x64xf32, #tpu.memory_space<vmem>>
      %dma_start3A_84 = arith.constant 0 : i32
      %dma_start3A_85 = tpu.memref_slice %arg2[%squeeze3A, %dma_start3A_84] : memref<1000000x64xf32, #tpu.memory_space<hbm>> -> memref<1x64xf32, #tpu.memory_space<hbm>>
      tpu.enqueue_dma source(%dma_start3A_85 : memref<1x64xf32, #tpu.memory_space<hbm>>) target(%dma_start3A_83 : memref<1x64xf32, #tpu.memory_space<vmem>>) target_semaphore(%arg12 : memref<!tpu.dma_semaphore, #tpu.memory_space<semaphore_mem>>)
      %slice3A_86 = vector.extract_strided_slice %get3A_74 {offsets = [0], sizes = [1], strides = [1]} : vector<16xi32> to vector<1xi32>
      %squeeze3A_87 = vector.extract %slice3A_86[0] : i32 from vector<1xi32>
      %mul3A_88 = arith.constant 16 : i32
      %mul3A_89 = arith.muli %scan3A_61, %mul3A_88 : i32
      %add3A_90 = arith.constant 0 : i32
      %add3A_91 = arith.addi %mul3A_89, %add3A_90 : i32
      %dma_start3A_92 = arith.constant 0 : i32
      %dma_start3A_93 = tpu.memref_slice %arg11[%add3A_91, %dma_start3A_92] : memref<256x64xf32, #tpu.memory_space<vmem>> -> memref<1x64xf32, #tpu.memory_space<vmem>>
      %dma_start3A_94 = arith.constant 0 : i32
      %dma_start3A_95 = tpu.memref_slice %arg3[%squeeze3A_87, %dma_start3A_94] : memref<1000000x64xf32, #tpu.memory_space<hbm>> -> memref<1x64xf32, #tpu.memory_space<hbm>>
      %dma_start3A_96 = arith.constant 0 : i32
      %dma_start3A_97 = tpu.memref_slice %arg11[%add3A_91, %dma_start3A_96] : memref<256x64xf32, #tpu.memory_space<vmem>> -> memref<1x64xf32, #tpu.memory_space<vmem>>
      %dma_start3A_98 = arith.constant 0 : i32
      %dma_start3A_99 = tpu.memref_slice %arg3[%squeeze3A_87, %dma_start3A_98] : memref<1000000x64xf32, #tpu.memory_space<hbm>> -> memref<1x64xf32, #tpu.memory_space<hbm>>
      tpu.enqueue_dma source(%dma_start3A_99 : memref<1x64xf32, #tpu.memory_space<hbm>>) target(%dma_start3A_97 : memref<1x64xf32, #tpu.memory_space<vmem>>) target_semaphore(%arg12 : memref<!tpu.dma_semaphore, #tpu.memory_space<semaphore_mem>>)
      %slice3A_100 = vector.extract_strided_slice %get3A_67 {offsets = [1], sizes = [1], strides = [1]} : vector<16xi32> to vector<1xi32>
      %squeeze3A_101 = vector.extract %slice3A_100[0] : i32 from vector<1xi32>
      %mul3A_102 = arith.constant 16 : i32
      %mul3A_103 = arith.muli %scan3A_61, %mul3A_102 : i32
      %add3A_104 = arith.constant 1 : i32
      %add3A_105 = arith.addi %mul3A_103, %add3A_104 : i32
      %dma_start3A_106 = arith.constant 0 : i32
      %dma_start3A_107 = tpu.memref_slice %arg10[%add3A_105, %dma_start3A_106] : memref<256x64xf32, #tpu.memory_space<vmem>> -> memref<1x64xf32, #tpu.memory_space<vmem>>
      %dma_start3A_108 = arith.constant 0 : i32
      %dma_start3A_109 = tpu.memref_slice %arg2[%squeeze3A_101, %dma_start3A_108] : memref<1000000x64xf32, #tpu.memory_space<hbm>> -> memref<1x64xf32, #tpu.memory_space<hbm>>
      %dma_start3A_110 = arith.constant 0 : i32
      %dma_start3A_111 = tpu.memref_slice %arg10[%add3A_105, %dma_start3A_110] : memref<256x64xf32, #tpu.memory_space<vmem>> -> memref<1x64xf32, #tpu.memory_space<vmem>>
      %dma_start3A_112 = arith.constant 0 : i32
      %dma_start3A_113 = tpu.memref_slice %arg2[%squeeze3A_101, %dma_start3A_112] : memref<1000000x64xf32, #tpu.memory_space<hbm>> -> memref<1x64xf32, #tpu.memory_space<hbm>>
      tpu.enqueue_dma source(%dma_start3A_113 : memref<1x64xf32, #tpu.memory_space<hbm>>) target(%dma_start3A_111 : memref<1x64xf32, #tpu.memory_space<vmem>>) target_semaphore(%arg12 : memref<!tpu.dma_semaphore, #tpu.memory_space<semaphore_mem>>)
      %slice3A_114 = vector.extract_strided_slice %get3A_74 {offsets = [1], sizes = [1], strides = [1]} : vector<16xi32> to vector<1xi32>
      %squeeze3A_115 = vector.extract %slice3A_114[0] : i32 from vector<1xi32>
      %mul3A_116 = arith.constant 16 : i32
      %mul3A_117 = arith.muli %scan3A_61, %mul3A_116 : i32
      %add3A_118 = arith.constant 1 : i32
      %add3A_119 = arith.addi %mul3A_117, %add3A_118 : i32
      %dma_start3A_120 = arith.constant 0 : i32
      %dma_start3A_121 = tpu.memref_slice %arg11[%add3A_119, %dma_start3A_120] : memref<256x64xf32, #tpu.memory_space<vmem>> -> memref<1x64xf32, #tpu.memory_space<vmem>>
      %dma_start3A_122 = arith.constant 0 : i32
      %dma_start3A_123 = tpu.memref_slice %arg3[%squeeze3A_115, %dma_start3A_122] : memref<1000000x64xf32, #tpu.memory_space<hbm>> -> memref<1x64xf32, #tpu.memory_space<hbm>>
      %dma_start3A_124 = arith.constant 0 : i32
      %dma_start3A_125 = tpu.memref_slice %arg11[%add3A_119, %dma_start3A_124] : memref<256x64xf32, #tpu.memory_space<vmem>> -> memref<1x64xf32, #tpu.memory_space<vmem>>
      %dma_start3A_126 = arith.constant 0 : i32
      %dma_start3A_127 = tpu.memref_slice %arg3[%squeeze3A_115, %dma_start3A_126] : memref<1000000x64xf32, #tpu.memory_space<hbm>> -> memref<1x64xf32, #tpu.memory_space<hbm>>
      tpu.enqueue_dma source(%dma_start3A_127 : memref<1x64xf32, #tpu.memory_space<hbm>>) target(%dma_start3A_125 : memref<1x64xf32, #tpu.memory_space<vmem>>) target_semaphore(%arg12 : memref<!tpu.dma_semaphore, #tpu.memory_space<semaphore_mem>>)
      %slice3A_128 = vector.extract_strided_slice %get3A_67 {offsets = [2], sizes = [1], strides = [1]} : vector<16xi32> to vector<1xi32>
      %squeeze3A_129 = vector.extract %slice3A_128[0] : i32 from vector<1xi32>
      %mul3A_130 = arith.constant 16 : i32
      %mul3A_131 = arith.muli %scan3A_61, %mul3A_130 : i32
      %add3A_132 = arith.constant 2 : i32
      %add3A_133 = arith.addi %mul3A_131, %add3A_132 : i32
      %dma_start3A_134 = arith.constant 0 : i32
      %dma_start3A_135 = tpu.memref_slice %arg10[%add3A_133, %dma_start3A_134] : memref<256x64xf32, #tpu.memory_space<vmem>> -> memref<1x64xf32, #tpu.memory_space<vmem>>
      %dma_start3A_136 = arith.constant 0 : i32
      %dma_start3A_137 = tpu.memref_slice %arg2[%squeeze3A_129, %dma_start3A_136] : memref<1000000x64xf32, #tpu.memory_space<hbm>> -> memref<1x64xf32, #tpu.memory_space<hbm>>
      %dma_start3A_138 = arith.constant 0 : i32
      %dma_start3A_139 = tpu.memref_slice %arg10[%add3A_133, %dma_start3A_138] : memref<256x64xf32, #tpu.memory_space<vmem>> -> memref<1x64xf32, #tpu.memory_space<vmem>>
      %dma_start3A_140 = arith.constant 0 : i32
      %dma_start3A_141 = tpu.memref_slice %arg2[%squeeze3A_129, %dma_start3A_140] : memref<1000000x64xf32, #tpu.memory_space<hbm>> -> memref<1x64xf32, #tpu.memory_space<hbm>>
      tpu.enqueue_dma source(%dma_start3A_141 : memref<1x64xf32, #tpu.memory_space<hbm>>) target(%dma_start3A_139 : memref<1x64xf32, #tpu.memory_space<vmem>>) target_semaphore(%arg12 : memref<!tpu.dma_semaphore, #tpu.memory_space<semaphore_mem>>)
      %slice3A_142 = vector.extract_strided_slice %get3A_74 {offsets = [2], sizes = [1], strides = [1]} : vector<16xi32> to vector<1xi32>
      %squeeze3A_143 = vector.extract %slice3A_142[0] : i32 from vector<1xi32>
      %mul3A_144 = arith.constant 16 : i32
      %mul3A_145 = arith.muli %scan3A_61, %mul3A_144 : i32
      %add3A_146 = arith.constant 2 : i32
      %add3A_147 = arith.addi %mul3A_145, %add3A_146 : i32
      %dma_start3A_148 = arith.constant 0 : i32
      %dma_start3A_149 = tpu.memref_slice %arg11[%add3A_147, %dma_start3A_148] : memref<256x64xf32, #tpu.memory_space<vmem>> -> memref<1x64xf32, #tpu.memory_space<vmem>>
      %dma_start3A_150 = arith.constant 0 : i32
      %dma_start3A_151 = tpu.memref_slice %arg3[%squeeze3A_143, %dma_start3A_150] : memref<1000000x64xf32, #tpu.memory_space<hbm>> -> memref<1x64xf32, #tpu.memory_space<hbm>>
      %dma_start3A_152 = arith.constant 0 : i32
      %dma_start3A_153 = tpu.memref_slice %arg11[%add3A_147, %dma_start3A_152] : memref<256x64xf32, #tpu.memory_space<vmem>> -> memref<1x64xf32, #tpu.memory_space<vmem>>
      %dma_start3A_154 = arith.constant 0 : i32
      %dma_start3A_155 = tpu.memref_slice %arg3[%squeeze3A_143, %dma_start3A_154] : memref<1000000x64xf32, #tpu.memory_space<hbm>> -> memref<1x64xf32, #tpu.memory_space<hbm>>
      tpu.enqueue_dma source(%dma_start3A_155 : memref<1x64xf32, #tpu.memory_space<hbm>>) target(%dma_start3A_153 : memref<1x64xf32, #tpu.memory_space<vmem>>) target_semaphore(%arg12 : memref<!tpu.dma_semaphore, #tpu.memory_space<semaphore_mem>>)
      %slice3A_156 = vector.extract_strided_slice %get3A_67 {offsets = [3], sizes = [1], strides = [1]} : vector<16xi32> to vector<1xi32>
      %squeeze3A_157 = vector.extract %slice3A_156[0] : i32 from vector<1xi32>
      %mul3A_158 = arith.constant 16 : i32
      %mul3A_159 = arith.muli %scan3A_61, %mul3A_158 : i32
      %add3A_160 = arith.constant 3 : i32
      %add3A_161 = arith.addi %mul3A_159, %add3A_160 : i32
      %dma_start3A_162 = arith.constant 0 : i32
      %dma_start3A_163 = tpu.memref_slice %arg10[%add3A_161, %dma_start3A_162] : memref<256x64xf32, #tpu.memory_space<vmem>> -> memref<1x64xf32, #tpu.memory_space<vmem>>
      %dma_start3A_164 = arith.constant 0 : i32
      %dma_start3A_165 = tpu.memref_slice %arg2[%squeeze3A_157, %dma_start3A_164] : memref<1000000x64xf32, #tpu.memory_space<hbm>> -> memref<1x64xf32, #tpu.memory_space<hbm>>
      %dma_start3A_166 = arith.constant 0 : i32
      %dma_start3A_167 = tpu.memref_slice %arg10[%add3A_161, %dma_start3A_166] : memref<256x64xf32, #tpu.memory_space<vmem>> -> memref<1x64xf32, #tpu.memory_space<vmem>>
      %dma_start3A_168 = arith.constant 0 : i32
      %dma_start3A_169 = tpu.memref_slice %arg2[%squeeze3A_157, %dma_start3A_168] : memref<1000000x64xf32, #tpu.memory_space<hbm>> -> memref<1x64xf32, #tpu.memory_space<hbm>>
      tpu.enqueue_dma source(%dma_start3A_169 : memref<1x64xf32, #tpu.memory_space<hbm>>) target(%dma_start3A_167 : memref<1x64xf32, #tpu.memory_space<vmem>>) target_semaphore(%arg12 : memref<!tpu.dma_semaphore, #tpu.memory_space<semaphore_mem>>)
      %slice3A_170 = vector.extract_strided_slice %get3A_74 {offsets = [3], sizes = [1], strides = [1]} : vector<16xi32> to vector<1xi32>
      %squeeze3A_171 = vector.extract %slice3A_170[0] : i32 from vector<1xi32>
      %mul3A_172 = arith.constant 16 : i32
      %mul3A_173 = arith.muli %scan3A_61, %mul3A_172 : i32
      %add3A_174 = arith.constant 3 : i32
      %add3A_175 = arith.addi %mul3A_173, %add3A_174 : i32
      %dma_start3A_176 = arith.constant 0 : i32
      %dma_start3A_177 = tpu.memref_slice %arg11[%add3A_175, %dma_start3A_176] : memref<256x64xf32, #tpu.memory_space<vmem>> -> memref<1x64xf32, #tpu.memory_space<vmem>>
      %dma_start3A_178 = arith.constant 0 : i32
      %dma_start3A_179 = tpu.memref_slice %arg3[%squeeze3A_171, %dma_start3A_178] : memref<1000000x64xf32, #tpu.memory_space<hbm>> -> memref<1x64xf32, #tpu.memory_space<hbm>>
      %dma_start3A_180 = arith.constant 0 : i32
      %dma_start3A_181 = tpu.memref_slice %arg11[%add3A_175, %dma_start3A_180] : memref<256x64xf32, #tpu.memory_space<vmem>> -> memref<1x64xf32, #tpu.memory_space<vmem>>
      %dma_start3A_182 = arith.constant 0 : i32
      %dma_start3A_183 = tpu.memref_slice %arg3[%squeeze3A_171, %dma_start3A_182] : memref<1000000x64xf32, #tpu.memory_space<hbm>> -> memref<1x64xf32, #tpu.memory_space<hbm>>
      tpu.enqueue_dma source(%dma_start3A_183 : memref<1x64xf32, #tpu.memory_space<hbm>>) target(%dma_start3A_181 : memref<1x64xf32, #tpu.memory_space<vmem>>) target_semaphore(%arg12 : memref<!tpu.dma_semaphore, #tpu.memory_space<semaphore_mem>>)
      %slice3A_184 = vector.extract_strided_slice %get3A_67 {offsets = [4], sizes = [1], strides = [1]} : vector<16xi32> to vector<1xi32>
      %squeeze3A_185 = vector.extract %slice3A_184[0] : i32 from vector<1xi32>
      %mul3A_186 = arith.constant 16 : i32
      %mul3A_187 = arith.muli %scan3A_61, %mul3A_186 : i32
      %add3A_188 = arith.constant 4 : i32
      %add3A_189 = arith.addi %mul3A_187, %add3A_188 : i32
      %dma_start3A_190 = arith.constant 0 : i32
      %dma_start3A_191 = tpu.memref_slice %arg10[%add3A_189, %dma_start3A_190] : memref<256x64xf32, #tpu.memory_space<vmem>> -> memref<1x64xf32, #tpu.memory_space<vmem>>
      %dma_start3A_192 = arith.constant 0 : i32
      %dma_start3A_193 = tpu.memref_slice %arg2[%squeeze3A_185, %dma_start3A_192] : memref<1000000x64xf32, #tpu.memory_space<hbm>> -> memref<1x64xf32, #tpu.memory_space<hbm>>
      %dma_start3A_194 = arith.constant 0 : i32
      %dma_start3A_195 = tpu.memref_slice %arg10[%add3A_189, %dma_start3A_194] : memref<256x64xf32, #tpu.memory_space<vmem>> -> memref<1x64xf32, #tpu.memory_space<vmem>>
      %dma_start3A_196 = arith.constant 0 : i32
      %dma_start3A_197 = tpu.memref_slice %arg2[%squeeze3A_185, %dma_start3A_196] : memref<1000000x64xf32, #tpu.memory_space<hbm>> -> memref<1x64xf32, #tpu.memory_space<hbm>>
      tpu.enqueue_dma source(%dma_start3A_197 : memref<1x64xf32, #tpu.memory_space<hbm>>) target(%dma_start3A_195 : memref<1x64xf32, #tpu.memory_space<vmem>>) target_semaphore(%arg12 : memref<!tpu.dma_semaphore, #tpu.memory_space<semaphore_mem>>)
      %slice3A_198 = vector.extract_strided_slice %get3A_74 {offsets = [4], sizes = [1], strides = [1]} : vector<16xi32> to vector<1xi32>
      %squeeze3A_199 = vector.extract %slice3A_198[0] : i32 from vector<1xi32>
      %mul3A_200 = arith.constant 16 : i32
      %mul3A_201 = arith.muli %scan3A_61, %mul3A_200 : i32
      %add3A_202 = arith.constant 4 : i32
      %add3A_203 = arith.addi %mul3A_201, %add3A_202 : i32
      %dma_start3A_204 = arith.constant 0 : i32
      %dma_start3A_205 = tpu.memref_slice %arg11[%add3A_203, %dma_start3A_204] : memref<256x64xf32, #tpu.memory_space<vmem>> -> memref<1x64xf32, #tpu.memory_space<vmem>>
      %dma_start3A_206 = arith.constant 0 : i32
      %dma_start3A_207 = tpu.memref_slice %arg3[%squeeze3A_199, %dma_start3A_206] : memref<1000000x64xf32, #tpu.memory_space<hbm>> -> memref<1x64xf32, #tpu.memory_space<hbm>>
      %dma_start3A_208 = arith.constant 0 : i32
      %dma_start3A_209 = tpu.memref_slice %arg11[%add3A_203, %dma_start3A_208] : memref<256x64xf32, #tpu.memory_space<vmem>> -> memref<1x64xf32, #tpu.memory_space<vmem>>
      %dma_start3A_210 = arith.constant 0 : i32
      %dma_start3A_211 = tpu.memref_slice %arg3[%squeeze3A_199, %dma_start3A_210] : memref<1000000x64xf32, #tpu.memory_space<hbm>> -> memref<1x64xf32, #tpu.memory_space<hbm>>
      tpu.enqueue_dma source(%dma_start3A_211 : memref<1x64xf32, #tpu.memory_space<hbm>>) target(%dma_start3A_209 : memref<1x64xf32, #tpu.memory_space<vmem>>) target_semaphore(%arg12 : memref<!tpu.dma_semaphore, #tpu.memory_space<semaphore_mem>>)
      %slice3A_212 = vector.extract_strided_slice %get3A_67 {offsets = [5], sizes = [1], strides = [1]} : vector<16xi32> to vector<1xi32>
      %squeeze3A_213 = vector.extract %slice3A_212[0] : i32 from vector<1xi32>
      %mul3A_214 = arith.constant 16 : i32
      %mul3A_215 = arith.muli %scan3A_61, %mul3A_214 : i32
      %add3A_216 = arith.constant 5 : i32
      %add3A_217 = arith.addi %mul3A_215, %add3A_216 : i32
      %dma_start3A_218 = arith.constant 0 : i32
      %dma_start3A_219 = tpu.memref_slice %arg10[%add3A_217, %dma_start3A_218] : memref<256x64xf32, #tpu.memory_space<vmem>> -> memref<1x64xf32, #tpu.memory_space<vmem>>
      %dma_start3A_220 = arith.constant 0 : i32
      %dma_start3A_221 = tpu.memref_slice %arg2[%squeeze3A_213, %dma_start3A_220] : memref<1000000x64xf32, #tpu.memory_space<hbm>> -> memref<1x64xf32, #tpu.memory_space<hbm>>
      %dma_start3A_222 = arith.constant 0 : i32
      %dma_start3A_223 = tpu.memref_slice %arg10[%add3A_217, %dma_start3A_222] : memref<256x64xf32, #tpu.memory_space<vmem>> -> memref<1x64xf32, #tpu.memory_space<vmem>>
      %dma_start3A_224 = arith.constant 0 : i32
      %dma_start3A_225 = tpu.memref_slice %arg2[%squeeze3A_213, %dma_start3A_224] : memref<1000000x64xf32, #tpu.memory_space<hbm>> -> memref<1x64xf32, #tpu.memory_space<hbm>>
      tpu.enqueue_dma source(%dma_start3A_225 : memref<1x64xf32, #tpu.memory_space<hbm>>) target(%dma_start3A_223 : memref<1x64xf32, #tpu.memory_space<vmem>>) target_semaphore(%arg12 : memref<!tpu.dma_semaphore, #tpu.memory_space<semaphore_mem>>)
      %slice3A_226 = vector.extract_strided_slice %get3A_74 {offsets = [5], sizes = [1], strides = [1]} : vector<16xi32> to vector<1xi32>
      %squeeze3A_227 = vector.extract %slice3A_226[0] : i32 from vector<1xi32>
      %mul3A_228 = arith.constant 16 : i32
      %mul3A_229 = arith.muli %scan3A_61, %mul3A_228 : i32
      %add3A_230 = arith.constant 5 : i32
      %add3A_231 = arith.addi %mul3A_229, %add3A_230 : i32
      %dma_start3A_232 = arith.constant 0 : i32
      %dma_start3A_233 = tpu.memref_slice %arg11[%add3A_231, %dma_start3A_232] : memref<256x64xf32, #tpu.memory_space<vmem>> -> memref<1x64xf32, #tpu.memory_space<vmem>>
      %dma_start3A_234 = arith.constant 0 : i32
      %dma_start3A_235 = tpu.memref_slice %arg3[%squeeze3A_227, %dma_start3A_234] : memref<1000000x64xf32, #tpu.memory_space<hbm>> -> memref<1x64xf32, #tpu.memory_space<hbm>>
      %dma_start3A_236 = arith.constant 0 : i32
      %dma_start3A_237 = tpu.memref_slice %arg11[%add3A_231, %dma_start3A_236] : memref<256x64xf32, #tpu.memory_space<vmem>> -> memref<1x64xf32, #tpu.memory_space<vmem>>
      %dma_start3A_238 = arith.constant 0 : i32
      %dma_start3A_239 = tpu.memref_slice %arg3[%squeeze3A_227, %dma_start3A_238] : memref<1000000x64xf32, #tpu.memory_space<hbm>> -> memref<1x64xf32, #tpu.memory_space<hbm>>
      tpu.enqueue_dma source(%dma_start3A_239 : memref<1x64xf32, #tpu.memory_space<hbm>>) target(%dma_start3A_237 : memref<1x64xf32, #tpu.memory_space<vmem>>) target_semaphore(%arg12 : memref<!tpu.dma_semaphore, #tpu.memory_space<semaphore_mem>>)
      %slice3A_240 = vector.extract_strided_slice %get3A_67 {offsets = [6], sizes = [1], strides = [1]} : vector<16xi32> to vector<1xi32>
      %squeeze3A_241 = vector.extract %slice3A_240[0] : i32 from vector<1xi32>
      %mul3A_242 = arith.constant 16 : i32
      %mul3A_243 = arith.muli %scan3A_61, %mul3A_242 : i32
      %add3A_244 = arith.constant 6 : i32
      %add3A_245 = arith.addi %mul3A_243, %add3A_244 : i32
      %dma_start3A_246 = arith.constant 0 : i32
      %dma_start3A_247 = tpu.memref_slice %arg10[%add3A_245, %dma_start3A_246] : memref<256x64xf32, #tpu.memory_space<vmem>> -> memref<1x64xf32, #tpu.memory_space<vmem>>
      %dma_start3A_248 = arith.constant 0 : i32
      %dma_start3A_249 = tpu.memref_slice %arg2[%squeeze3A_241, %dma_start3A_248] : memref<1000000x64xf32, #tpu.memory_space<hbm>> -> memref<1x64xf32, #tpu.memory_space<hbm>>
      %dma_start3A_250 = arith.constant 0 : i32
      %dma_start3A_251 = tpu.memref_slice %arg10[%add3A_245, %dma_start3A_250] : memref<256x64xf32, #tpu.memory_space<vmem>> -> memref<1x64xf32, #tpu.memory_space<vmem>>
      %dma_start3A_252 = arith.constant 0 : i32
      %dma_start3A_253 = tpu.memref_slice %arg2[%squeeze3A_241, %dma_start3A_252] : memref<1000000x64xf32, #tpu.memory_space<hbm>> -> memref<1x64xf32, #tpu.memory_space<hbm>>
      tpu.enqueue_dma source(%dma_start3A_253 : memref<1x64xf32, #tpu.memory_space<hbm>>) target(%dma_start3A_251 : memref<1x64xf32, #tpu.memory_space<vmem>>) target_semaphore(%arg12 : memref<!tpu.dma_semaphore, #tpu.memory_space<semaphore_mem>>)
      %slice3A_254 = vector.extract_strided_slice %get3A_74 {offsets = [6], sizes = [1], strides = [1]} : vector<16xi32> to vector<1xi32>
      %squeeze3A_255 = vector.extract %slice3A_254[0] : i32 from vector<1xi32>
      %mul3A_256 = arith.constant 16 : i32
      %mul3A_257 = arith.muli %scan3A_61, %mul3A_256 : i32
      %add3A_258 = arith.constant 6 : i32
      %add3A_259 = arith.addi %mul3A_257, %add3A_258 : i32
      %dma_start3A_260 = arith.constant 0 : i32
      %dma_start3A_261 = tpu.memref_slice %arg11[%add3A_259, %dma_start3A_260] : memref<256x64xf32, #tpu.memory_space<vmem>> -> memref<1x64xf32, #tpu.memory_space<vmem>>
      %dma_start3A_262 = arith.constant 0 : i32
      %dma_start3A_263 = tpu.memref_slice %arg3[%squeeze3A_255, %dma_start3A_262] : memref<1000000x64xf32, #tpu.memory_space<hbm>> -> memref<1x64xf32, #tpu.memory_space<hbm>>
      %dma_start3A_264 = arith.constant 0 : i32
      %dma_start3A_265 = tpu.memref_slice %arg11[%add3A_259, %dma_start3A_264] : memref<256x64xf32, #tpu.memory_space<vmem>> -> memref<1x64xf32, #tpu.memory_space<vmem>>
      %dma_start3A_266 = arith.constant 0 : i32
      %dma_start3A_267 = tpu.memref_slice %arg3[%squeeze3A_255, %dma_start3A_266] : memref<1000000x64xf32, #tpu.memory_space<hbm>> -> memref<1x64xf32, #tpu.memory_space<hbm>>
      tpu.enqueue_dma source(%dma_start3A_267 : memref<1x64xf32, #tpu.memory_space<hbm>>) target(%dma_start3A_265 : memref<1x64xf32, #tpu.memory_space<vmem>>) target_semaphore(%arg12 : memref<!tpu.dma_semaphore, #tpu.memory_space<semaphore_mem>>)
      %slice3A_268 = vector.extract_strided_slice %get3A_67 {offsets = [7], sizes = [1], strides = [1]} : vector<16xi32> to vector<1xi32>
      %squeeze3A_269 = vector.extract %slice3A_268[0] : i32 from vector<1xi32>
      %mul3A_270 = arith.constant 16 : i32
      %mul3A_271 = arith.muli %scan3A_61, %mul3A_270 : i32
      %add3A_272 = arith.constant 7 : i32
      %add3A_273 = arith.addi %mul3A_271, %add3A_272 : i32
      %dma_start3A_274 = arith.constant 0 : i32
      %dma_start3A_275 = tpu.memref_slice %arg10[%add3A_273, %dma_start3A_274] : memref<256x64xf32, #tpu.memory_space<vmem>> -> memref<1x64xf32, #tpu.memory_space<vmem>>
      %dma_start3A_276 = arith.constant 0 : i32
      %dma_start3A_277 = tpu.memref_slice %arg2[%squeeze3A_269, %dma_start3A_276] : memref<1000000x64xf32, #tpu.memory_space<hbm>> -> memref<1x64xf32, #tpu.memory_space<hbm>>
      %dma_start3A_278 = arith.constant 0 : i32
      %dma_start3A_279 = tpu.memref_slice %arg10[%add3A_273, %dma_start3A_278] : memref<256x64xf32, #tpu.memory_space<vmem>> -> memref<1x64xf32, #tpu.memory_space<vmem>>
      %dma_start3A_280 = arith.constant 0 : i32
      %dma_start3A_281 = tpu.memref_slice %arg2[%squeeze3A_269, %dma_start3A_280] : memref<1000000x64xf32, #tpu.memory_space<hbm>> -> memref<1x64xf32, #tpu.memory_space<hbm>>
      tpu.enqueue_dma source(%dma_start3A_281 : memref<1x64xf32, #tpu.memory_space<hbm>>) target(%dma_start3A_279 : memref<1x64xf32, #tpu.memory_space<vmem>>) target_semaphore(%arg12 : memref<!tpu.dma_semaphore, #tpu.memory_space<semaphore_mem>>)
      %slice3A_282 = vector.extract_strided_slice %get3A_74 {offsets = [7], sizes = [1], strides = [1]} : vector<16xi32> to vector<1xi32>
      %squeeze3A_283 = vector.extract %slice3A_282[0] : i32 from vector<1xi32>
      %mul3A_284 = arith.constant 16 : i32
      %mul3A_285 = arith.muli %scan3A_61, %mul3A_284 : i32
      %add3A_286 = arith.constant 7 : i32
      %add3A_287 = arith.addi %mul3A_285, %add3A_286 : i32
      %dma_start3A_288 = arith.constant 0 : i32
      %dma_start3A_289 = tpu.memref_slice %arg11[%add3A_287, %dma_start3A_288] : memref<256x64xf32, #tpu.memory_space<vmem>> -> memref<1x64xf32, #tpu.memory_space<vmem>>
      %dma_start3A_290 = arith.constant 0 : i32
      %dma_start3A_291 = tpu.memref_slice %arg3[%squeeze3A_283, %dma_start3A_290] : memref<1000000x64xf32, #tpu.memory_space<hbm>> -> memref<1x64xf32, #tpu.memory_space<hbm>>
      %dma_start3A_292 = arith.constant 0 : i32
      %dma_start3A_293 = tpu.memref_slice %arg11[%add3A_287, %dma_start3A_292] : memref<256x64xf32, #tpu.memory_space<vmem>> -> memref<1x64xf32, #tpu.memory_space<vmem>>
      %dma_start3A_294 = arith.constant 0 : i32
      %dma_start3A_295 = tpu.memref_slice %arg3[%squeeze3A_283, %dma_start3A_294] : memref<1000000x64xf32, #tpu.memory_space<hbm>> -> memref<1x64xf32, #tpu.memory_space<hbm>>
      tpu.enqueue_dma source(%dma_start3A_295 : memref<1x64xf32, #tpu.memory_space<hbm>>) target(%dma_start3A_293 : memref<1x64xf32, #tpu.memory_space<vmem>>) target_semaphore(%arg12 : memref<!tpu.dma_semaphore, #tpu.memory_space<semaphore_mem>>)
      %slice3A_296 = vector.extract_strided_slice %get3A_67 {offsets = [8], sizes = [1], strides = [1]} : vector<16xi32> to vector<1xi32>
      %squeeze3A_297 = vector.extract %slice3A_296[0] : i32 from vector<1xi32>
      %mul3A_298 = arith.constant 16 : i32
      %mul3A_299 = arith.muli %scan3A_61, %mul3A_298 : i32
      %add3A_300 = arith.constant 8 : i32
      %add3A_301 = arith.addi %mul3A_299, %add3A_300 : i32
      %dma_start3A_302 = arith.constant 0 : i32
      %dma_start3A_303 = tpu.memref_slice %arg10[%add3A_301, %dma_start3A_302] : memref<256x64xf32, #tpu.memory_space<vmem>> -> memref<1x64xf32, #tpu.memory_space<vmem>>
      %dma_start3A_304 = arith.constant 0 : i32
      %dma_start3A_305 = tpu.memref_slice %arg2[%squeeze3A_297, %dma_start3A_304] : memref<1000000x64xf32, #tpu.memory_space<hbm>> -> memref<1x64xf32, #tpu.memory_space<hbm>>
      %dma_start3A_306 = arith.constant 0 : i32
      %dma_start3A_307 = tpu.memref_slice %arg10[%add3A_301, %dma_start3A_306] : memref<256x64xf32, #tpu.memory_space<vmem>> -> memref<1x64xf32, #tpu.memory_space<vmem>>
      %dma_start3A_308 = arith.constant 0 : i32
      %dma_start3A_309 = tpu.memref_slice %arg2[%squeeze3A_297, %dma_start3A_308] : memref<1000000x64xf32, #tpu.memory_space<hbm>> -> memref<1x64xf32, #tpu.memory_space<hbm>>
      tpu.enqueue_dma source(%dma_start3A_309 : memref<1x64xf32, #tpu.memory_space<hbm>>) target(%dma_start3A_307 : memref<1x64xf32, #tpu.memory_space<vmem>>) target_semaphore(%arg12 : memref<!tpu.dma_semaphore, #tpu.memory_space<semaphore_mem>>)
      %slice3A_310 = vector.extract_strided_slice %get3A_74 {offsets = [8], sizes = [1], strides = [1]} : vector<16xi32> to vector<1xi32>
      %squeeze3A_311 = vector.extract %slice3A_310[0] : i32 from vector<1xi32>
      %mul3A_312 = arith.constant 16 : i32
      %mul3A_313 = arith.muli %scan3A_61, %mul3A_312 : i32
      %add3A_314 = arith.constant 8 : i32
      %add3A_315 = arith.addi %mul3A_313, %add3A_314 : i32
      %dma_start3A_316 = arith.constant 0 : i32
      %dma_start3A_317 = tpu.memref_slice %arg11[%add3A_315, %dma_start3A_316] : memref<256x64xf32, #tpu.memory_space<vmem>> -> memref<1x64xf32, #tpu.memory_space<vmem>>
      %dma_start3A_318 = arith.constant 0 : i32
      %dma_start3A_319 = tpu.memref_slice %arg3[%squeeze3A_311, %dma_start3A_318] : memref<1000000x64xf32, #tpu.memory_space<hbm>> -> memref<1x64xf32, #tpu.memory_space<hbm>>
      %dma_start3A_320 = arith.constant 0 : i32
      %dma_start3A_321 = tpu.memref_slice %arg11[%add3A_315, %dma_start3A_320] : memref<256x64xf32, #tpu.memory_space<vmem>> -> memref<1x64xf32, #tpu.memory_space<vmem>>
      %dma_start3A_322 = arith.constant 0 : i32
      %dma_start3A_323 = tpu.memref_slice %arg3[%squeeze3A_311, %dma_start3A_322] : memref<1000000x64xf32, #tpu.memory_space<hbm>> -> memref<1x64xf32, #tpu.memory_space<hbm>>
      tpu.enqueue_dma source(%dma_start3A_323 : memref<1x64xf32, #tpu.memory_space<hbm>>) target(%dma_start3A_321 : memref<1x64xf32, #tpu.memory_space<vmem>>) target_semaphore(%arg12 : memref<!tpu.dma_semaphore, #tpu.memory_space<semaphore_mem>>)
      %slice3A_324 = vector.extract_strided_slice %get3A_67 {offsets = [9], sizes = [1], strides = [1]} : vector<16xi32> to vector<1xi32>
      %squeeze3A_325 = vector.extract %slice3A_324[0] : i32 from vector<1xi32>
      %mul3A_326 = arith.constant 16 : i32
      %mul3A_327 = arith.muli %scan3A_61, %mul3A_326 : i32
      %add3A_328 = arith.constant 9 : i32
      %add3A_329 = arith.addi %mul3A_327, %add3A_328 : i32
      %dma_start3A_330 = arith.constant 0 : i32
      %dma_start3A_331 = tpu.memref_slice %arg10[%add3A_329, %dma_start3A_330] : memref<256x64xf32, #tpu.memory_space<vmem>> -> memref<1x64xf32, #tpu.memory_space<vmem>>
      %dma_start3A_332 = arith.constant 0 : i32
      %dma_start3A_333 = tpu.memref_slice %arg2[%squeeze3A_325, %dma_start3A_332] : memref<1000000x64xf32, #tpu.memory_space<hbm>> -> memref<1x64xf32, #tpu.memory_space<hbm>>
      %dma_start3A_334 = arith.constant 0 : i32
      %dma_start3A_335 = tpu.memref_slice %arg10[%add3A_329, %dma_start3A_334] : memref<256x64xf32, #tpu.memory_space<vmem>> -> memref<1x64xf32, #tpu.memory_space<vmem>>
      %dma_start3A_336 = arith.constant 0 : i32
      %dma_start3A_337 = tpu.memref_slice %arg2[%squeeze3A_325, %dma_start3A_336] : memref<1000000x64xf32, #tpu.memory_space<hbm>> -> memref<1x64xf32, #tpu.memory_space<hbm>>
      tpu.enqueue_dma source(%dma_start3A_337 : memref<1x64xf32, #tpu.memory_space<hbm>>) target(%dma_start3A_335 : memref<1x64xf32, #tpu.memory_space<vmem>>) target_semaphore(%arg12 : memref<!tpu.dma_semaphore, #tpu.memory_space<semaphore_mem>>)
      %slice3A_338 = vector.extract_strided_slice %get3A_74 {offsets = [9], sizes = [1], strides = [1]} : vector<16xi32> to vector<1xi32>
      %squeeze3A_339 = vector.extract %slice3A_338[0] : i32 from vector<1xi32>
      %mul3A_340 = arith.constant 16 : i32
      %mul3A_341 = arith.muli %scan3A_61, %mul3A_340 : i32
      %add3A_342 = arith.constant 9 : i32
      %add3A_343 = arith.addi %mul3A_341, %add3A_342 : i32
      %dma_start3A_344 = arith.constant 0 : i32
      %dma_start3A_345 = tpu.memref_slice %arg11[%add3A_343, %dma_start3A_344] : memref<256x64xf32, #tpu.memory_space<vmem>> -> memref<1x64xf32, #tpu.memory_space<vmem>>
      %dma_start3A_346 = arith.constant 0 : i32
      %dma_start3A_347 = tpu.memref_slice %arg3[%squeeze3A_339, %dma_start3A_346] : memref<1000000x64xf32, #tpu.memory_space<hbm>> -> memref<1x64xf32, #tpu.memory_space<hbm>>
      %dma_start3A_348 = arith.constant 0 : i32
      %dma_start3A_349 = tpu.memref_slice %arg11[%add3A_343, %dma_start3A_348] : memref<256x64xf32, #tpu.memory_space<vmem>> -> memref<1x64xf32, #tpu.memory_space<vmem>>
      %dma_start3A_350 = arith.constant 0 : i32
      %dma_start3A_351 = tpu.memref_slice %arg3[%squeeze3A_339, %dma_start3A_350] : memref<1000000x64xf32, #tpu.memory_space<hbm>> -> memref<1x64xf32, #tpu.memory_space<hbm>>
      tpu.enqueue_dma source(%dma_start3A_351 : memref<1x64xf32, #tpu.memory_space<hbm>>) target(%dma_start3A_349 : memref<1x64xf32, #tpu.memory_space<vmem>>) target_semaphore(%arg12 : memref<!tpu.dma_semaphore, #tpu.memory_space<semaphore_mem>>)
      %slice3A_352 = vector.extract_strided_slice %get3A_67 {offsets = [10], sizes = [1], strides = [1]} : vector<16xi32> to vector<1xi32>
      %squeeze3A_353 = vector.extract %slice3A_352[0] : i32 from vector<1xi32>
      %mul3A_354 = arith.constant 16 : i32
      %mul3A_355 = arith.muli %scan3A_61, %mul3A_354 : i32
      %add3A_356 = arith.constant 10 : i32
      %add3A_357 = arith.addi %mul3A_355, %add3A_356 : i32
      %dma_start3A_358 = arith.constant 0 : i32
      %dma_start3A_359 = tpu.memref_slice %arg10[%add3A_357, %dma_start3A_358] : memref<256x64xf32, #tpu.memory_space<vmem>> -> memref<1x64xf32, #tpu.memory_space<vmem>>
      %dma_start3A_360 = arith.constant 0 : i32
      %dma_start3A_361 = tpu.memref_slice %arg2[%squeeze3A_353, %dma_start3A_360] : memref<1000000x64xf32, #tpu.memory_space<hbm>> -> memref<1x64xf32, #tpu.memory_space<hbm>>
      %dma_start3A_362 = arith.constant 0 : i32
      %dma_start3A_363 = tpu.memref_slice %arg10[%add3A_357, %dma_start3A_362] : memref<256x64xf32, #tpu.memory_space<vmem>> -> memref<1x64xf32, #tpu.memory_space<vmem>>
      %dma_start3A_364 = arith.constant 0 : i32
      %dma_start3A_365 = tpu.memref_slice %arg2[%squeeze3A_353, %dma_start3A_364] : memref<1000000x64xf32, #tpu.memory_space<hbm>> -> memref<1x64xf32, #tpu.memory_space<hbm>>
      tpu.enqueue_dma source(%dma_start3A_365 : memref<1x64xf32, #tpu.memory_space<hbm>>) target(%dma_start3A_363 : memref<1x64xf32, #tpu.memory_space<vmem>>) target_semaphore(%arg12 : memref<!tpu.dma_semaphore, #tpu.memory_space<semaphore_mem>>)
      %slice3A_366 = vector.extract_strided_slice %get3A_74 {offsets = [10], sizes = [1], strides = [1]} : vector<16xi32> to vector<1xi32>
      %squeeze3A_367 = vector.extract %slice3A_366[0] : i32 from vector<1xi32>
      %mul3A_368 = arith.constant 16 : i32
      %mul3A_369 = arith.muli %scan3A_61, %mul3A_368 : i32
      %add3A_370 = arith.constant 10 : i32
      %add3A_371 = arith.addi %mul3A_369, %add3A_370 : i32
      %dma_start3A_372 = arith.constant 0 : i32
      %dma_start3A_373 = tpu.memref_slice %arg11[%add3A_371, %dma_start3A_372] : memref<256x64xf32, #tpu.memory_space<vmem>> -> memref<1x64xf32, #tpu.memory_space<vmem>>
      %dma_start3A_374 = arith.constant 0 : i32
      %dma_start3A_375 = tpu.memref_slice %arg3[%squeeze3A_367, %dma_start3A_374] : memref<1000000x64xf32, #tpu.memory_space<hbm>> -> memref<1x64xf32, #tpu.memory_space<hbm>>
      %dma_start3A_376 = arith.constant 0 : i32
      %dma_start3A_377 = tpu.memref_slice %arg11[%add3A_371, %dma_start3A_376] : memref<256x64xf32, #tpu.memory_space<vmem>> -> memref<1x64xf32, #tpu.memory_space<vmem>>
      %dma_start3A_378 = arith.constant 0 : i32
      %dma_start3A_379 = tpu.memref_slice %arg3[%squeeze3A_367, %dma_start3A_378] : memref<1000000x64xf32, #tpu.memory_space<hbm>> -> memref<1x64xf32, #tpu.memory_space<hbm>>
      tpu.enqueue_dma source(%dma_start3A_379 : memref<1x64xf32, #tpu.memory_space<hbm>>) target(%dma_start3A_377 : memref<1x64xf32, #tpu.memory_space<vmem>>) target_semaphore(%arg12 : memref<!tpu.dma_semaphore, #tpu.memory_space<semaphore_mem>>)
      %slice3A_380 = vector.extract_strided_slice %get3A_67 {offsets = [11], sizes = [1], strides = [1]} : vector<16xi32> to vector<1xi32>
      %squeeze3A_381 = vector.extract %slice3A_380[0] : i32 from vector<1xi32>
      %mul3A_382 = arith.constant 16 : i32
      %mul3A_383 = arith.muli %scan3A_61, %mul3A_382 : i32
      %add3A_384 = arith.constant 11 : i32
      %add3A_385 = arith.addi %mul3A_383, %add3A_384 : i32
      %dma_start3A_386 = arith.constant 0 : i32
      %dma_start3A_387 = tpu.memref_slice %arg10[%add3A_385, %dma_start3A_386] : memref<256x64xf32, #tpu.memory_space<vmem>> -> memref<1x64xf32, #tpu.memory_space<vmem>>
      %dma_start3A_388 = arith.constant 0 : i32
      %dma_start3A_389 = tpu.memref_slice %arg2[%squeeze3A_381, %dma_start3A_388] : memref<1000000x64xf32, #tpu.memory_space<hbm>> -> memref<1x64xf32, #tpu.memory_space<hbm>>
      %dma_start3A_390 = arith.constant 0 : i32
      %dma_start3A_391 = tpu.memref_slice %arg10[%add3A_385, %dma_start3A_390] : memref<256x64xf32, #tpu.memory_space<vmem>> -> memref<1x64xf32, #tpu.memory_space<vmem>>
      %dma_start3A_392 = arith.constant 0 : i32
      %dma_start3A_393 = tpu.memref_slice %arg2[%squeeze3A_381, %dma_start3A_392] : memref<1000000x64xf32, #tpu.memory_space<hbm>> -> memref<1x64xf32, #tpu.memory_space<hbm>>
      tpu.enqueue_dma source(%dma_start3A_393 : memref<1x64xf32, #tpu.memory_space<hbm>>) target(%dma_start3A_391 : memref<1x64xf32, #tpu.memory_space<vmem>>) target_semaphore(%arg12 : memref<!tpu.dma_semaphore, #tpu.memory_space<semaphore_mem>>)
      %slice3A_394 = vector.extract_strided_slice %get3A_74 {offsets = [11], sizes = [1], strides = [1]} : vector<16xi32> to vector<1xi32>
      %squeeze3A_395 = vector.extract %slice3A_394[0] : i32 from vector<1xi32>
      %mul3A_396 = arith.constant 16 : i32
      %mul3A_397 = arith.muli %scan3A_61, %mul3A_396 : i32
      %add3A_398 = arith.constant 11 : i32
      %add3A_399 = arith.addi %mul3A_397, %add3A_398 : i32
      %dma_start3A_400 = arith.constant 0 : i32
      %dma_start3A_401 = tpu.memref_slice %arg11[%add3A_399, %dma_start3A_400] : memref<256x64xf32, #tpu.memory_space<vmem>> -> memref<1x64xf32, #tpu.memory_space<vmem>>
      %dma_start3A_402 = arith.constant 0 : i32
      %dma_start3A_403 = tpu.memref_slice %arg3[%squeeze3A_395, %dma_start3A_402] : memref<1000000x64xf32, #tpu.memory_space<hbm>> -> memref<1x64xf32, #tpu.memory_space<hbm>>
      %dma_start3A_404 = arith.constant 0 : i32
      %dma_start3A_405 = tpu.memref_slice %arg11[%add3A_399, %dma_start3A_404] : memref<256x64xf32, #tpu.memory_space<vmem>> -> memref<1x64xf32, #tpu.memory_space<vmem>>
      %dma_start3A_406 = arith.constant 0 : i32
      %dma_start3A_407 = tpu.memref_slice %arg3[%squeeze3A_395, %dma_start3A_406] : memref<1000000x64xf32, #tpu.memory_space<hbm>> -> memref<1x64xf32, #tpu.memory_space<hbm>>
      tpu.enqueue_dma source(%dma_start3A_407 : memref<1x64xf32, #tpu.memory_space<hbm>>) target(%dma_start3A_405 : memref<1x64xf32, #tpu.memory_space<vmem>>) target_semaphore(%arg12 : memref<!tpu.dma_semaphore, #tpu.memory_space<semaphore_mem>>)
      %slice3A_408 = vector.extract_strided_slice %get3A_67 {offsets = [12], sizes = [1], strides = [1]} : vector<16xi32> to vector<1xi32>
      %squeeze3A_409 = vector.extract %slice3A_408[0] : i32 from vector<1xi32>
      %mul3A_410 = arith.constant 16 : i32
      %mul3A_411 = arith.muli %scan3A_61, %mul3A_410 : i32
      %add3A_412 = arith.constant 12 : i32
      %add3A_413 = arith.addi %mul3A_411, %add3A_412 : i32
      %dma_start3A_414 = arith.constant 0 : i32
      %dma_start3A_415 = tpu.memref_slice %arg10[%add3A_413, %dma_start3A_414] : memref<256x64xf32, #tpu.memory_space<vmem>> -> memref<1x64xf32, #tpu.memory_space<vmem>>
      %dma_start3A_416 = arith.constant 0 : i32
      %dma_start3A_417 = tpu.memref_slice %arg2[%squeeze3A_409, %dma_start3A_416] : memref<1000000x64xf32, #tpu.memory_space<hbm>> -> memref<1x64xf32, #tpu.memory_space<hbm>>
      %dma_start3A_418 = arith.constant 0 : i32
      %dma_start3A_419 = tpu.memref_slice %arg10[%add3A_413, %dma_start3A_418] : memref<256x64xf32, #tpu.memory_space<vmem>> -> memref<1x64xf32, #tpu.memory_space<vmem>>
      %dma_start3A_420 = arith.constant 0 : i32
      %dma_start3A_421 = tpu.memref_slice %arg2[%squeeze3A_409, %dma_start3A_420] : memref<1000000x64xf32, #tpu.memory_space<hbm>> -> memref<1x64xf32, #tpu.memory_space<hbm>>
      tpu.enqueue_dma source(%dma_start3A_421 : memref<1x64xf32, #tpu.memory_space<hbm>>) target(%dma_start3A_419 : memref<1x64xf32, #tpu.memory_space<vmem>>) target_semaphore(%arg12 : memref<!tpu.dma_semaphore, #tpu.memory_space<semaphore_mem>>)
      %slice3A_422 = vector.extract_strided_slice %get3A_74 {offsets = [12], sizes = [1], strides = [1]} : vector<16xi32> to vector<1xi32>
      %squeeze3A_423 = vector.extract %slice3A_422[0] : i32 from vector<1xi32>
      %mul3A_424 = arith.constant 16 : i32
      %mul3A_425 = arith.muli %scan3A_61, %mul3A_424 : i32
      %add3A_426 = arith.constant 12 : i32
      %add3A_427 = arith.addi %mul3A_425, %add3A_426 : i32
      %dma_start3A_428 = arith.constant 0 : i32
      %dma_start3A_429 = tpu.memref_slice %arg11[%add3A_427, %dma_start3A_428] : memref<256x64xf32, #tpu.memory_space<vmem>> -> memref<1x64xf32, #tpu.memory_space<vmem>>
      %dma_start3A_430 = arith.constant 0 : i32
      %dma_start3A_431 = tpu.memref_slice %arg3[%squeeze3A_423, %dma_start3A_430] : memref<1000000x64xf32, #tpu.memory_space<hbm>> -> memref<1x64xf32, #tpu.memory_space<hbm>>
      %dma_start3A_432 = arith.constant 0 : i32
      %dma_start3A_433 = tpu.memref_slice %arg11[%add3A_427, %dma_start3A_432] : memref<256x64xf32, #tpu.memory_space<vmem>> -> memref<1x64xf32, #tpu.memory_space<vmem>>
      %dma_start3A_434 = arith.constant 0 : i32
      %dma_start3A_435 = tpu.memref_slice %arg3[%squeeze3A_423, %dma_start3A_434] : memref<1000000x64xf32, #tpu.memory_space<hbm>> -> memref<1x64xf32, #tpu.memory_space<hbm>>
      tpu.enqueue_dma source(%dma_start3A_435 : memref<1x64xf32, #tpu.memory_space<hbm>>) target(%dma_start3A_433 : memref<1x64xf32, #tpu.memory_space<vmem>>) target_semaphore(%arg12 : memref<!tpu.dma_semaphore, #tpu.memory_space<semaphore_mem>>)
      %slice3A_436 = vector.extract_strided_slice %get3A_67 {offsets = [13], sizes = [1], strides = [1]} : vector<16xi32> to vector<1xi32>
      %squeeze3A_437 = vector.extract %slice3A_436[0] : i32 from vector<1xi32>
      %mul3A_438 = arith.constant 16 : i32
      %mul3A_439 = arith.muli %scan3A_61, %mul3A_438 : i32
      %add3A_440 = arith.constant 13 : i32
      %add3A_441 = arith.addi %mul3A_439, %add3A_440 : i32
      %dma_start3A_442 = arith.constant 0 : i32
      %dma_start3A_443 = tpu.memref_slice %arg10[%add3A_441, %dma_start3A_442] : memref<256x64xf32, #tpu.memory_space<vmem>> -> memref<1x64xf32, #tpu.memory_space<vmem>>
      %dma_start3A_444 = arith.constant 0 : i32
      %dma_start3A_445 = tpu.memref_slice %arg2[%squeeze3A_437, %dma_start3A_444] : memref<1000000x64xf32, #tpu.memory_space<hbm>> -> memref<1x64xf32, #tpu.memory_space<hbm>>
      %dma_start3A_446 = arith.constant 0 : i32
      %dma_start3A_447 = tpu.memref_slice %arg10[%add3A_441, %dma_start3A_446] : memref<256x64xf32, #tpu.memory_space<vmem>> -> memref<1x64xf32, #tpu.memory_space<vmem>>
      %dma_start3A_448 = arith.constant 0 : i32
      %dma_start3A_449 = tpu.memref_slice %arg2[%squeeze3A_437, %dma_start3A_448] : memref<1000000x64xf32, #tpu.memory_space<hbm>> -> memref<1x64xf32, #tpu.memory_space<hbm>>
      tpu.enqueue_dma source(%dma_start3A_449 : memref<1x64xf32, #tpu.memory_space<hbm>>) target(%dma_start3A_447 : memref<1x64xf32, #tpu.memory_space<vmem>>) target_semaphore(%arg12 : memref<!tpu.dma_semaphore, #tpu.memory_space<semaphore_mem>>)
      %slice3A_450 = vector.extract_strided_slice %get3A_74 {offsets = [13], sizes = [1], strides = [1]} : vector<16xi32> to vector<1xi32>
      %squeeze3A_451 = vector.extract %slice3A_450[0] : i32 from vector<1xi32>
      %mul3A_452 = arith.constant 16 : i32
      %mul3A_453 = arith.muli %scan3A_61, %mul3A_452 : i32
      %add3A_454 = arith.constant 13 : i32
      %add3A_455 = arith.addi %mul3A_453, %add3A_454 : i32
      %dma_start3A_456 = arith.constant 0 : i32
      %dma_start3A_457 = tpu.memref_slice %arg11[%add3A_455, %dma_start3A_456] : memref<256x64xf32, #tpu.memory_space<vmem>> -> memref<1x64xf32, #tpu.memory_space<vmem>>
      %dma_start3A_458 = arith.constant 0 : i32
      %dma_start3A_459 = tpu.memref_slice %arg3[%squeeze3A_451, %dma_start3A_458] : memref<1000000x64xf32, #tpu.memory_space<hbm>> -> memref<1x64xf32, #tpu.memory_space<hbm>>
      %dma_start3A_460 = arith.constant 0 : i32
      %dma_start3A_461 = tpu.memref_slice %arg11[%add3A_455, %dma_start3A_460] : memref<256x64xf32, #tpu.memory_space<vmem>> -> memref<1x64xf32, #tpu.memory_space<vmem>>
      %dma_start3A_462 = arith.constant 0 : i32
      %dma_start3A_463 = tpu.memref_slice %arg3[%squeeze3A_451, %dma_start3A_462] : memref<1000000x64xf32, #tpu.memory_space<hbm>> -> memref<1x64xf32, #tpu.memory_space<hbm>>
      tpu.enqueue_dma source(%dma_start3A_463 : memref<1x64xf32, #tpu.memory_space<hbm>>) target(%dma_start3A_461 : memref<1x64xf32, #tpu.memory_space<vmem>>) target_semaphore(%arg12 : memref<!tpu.dma_semaphore, #tpu.memory_space<semaphore_mem>>)
      %slice3A_464 = vector.extract_strided_slice %get3A_67 {offsets = [14], sizes = [1], strides = [1]} : vector<16xi32> to vector<1xi32>
      %squeeze3A_465 = vector.extract %slice3A_464[0] : i32 from vector<1xi32>
      %mul3A_466 = arith.constant 16 : i32
      %mul3A_467 = arith.muli %scan3A_61, %mul3A_466 : i32
      %add3A_468 = arith.constant 14 : i32
      %add3A_469 = arith.addi %mul3A_467, %add3A_468 : i32
      %dma_start3A_470 = arith.constant 0 : i32
      %dma_start3A_471 = tpu.memref_slice %arg10[%add3A_469, %dma_start3A_470] : memref<256x64xf32, #tpu.memory_space<vmem>> -> memref<1x64xf32, #tpu.memory_space<vmem>>
      %dma_start3A_472 = arith.constant 0 : i32
      %dma_start3A_473 = tpu.memref_slice %arg2[%squeeze3A_465, %dma_start3A_472] : memref<1000000x64xf32, #tpu.memory_space<hbm>> -> memref<1x64xf32, #tpu.memory_space<hbm>>
      %dma_start3A_474 = arith.constant 0 : i32
      %dma_start3A_475 = tpu.memref_slice %arg10[%add3A_469, %dma_start3A_474] : memref<256x64xf32, #tpu.memory_space<vmem>> -> memref<1x64xf32, #tpu.memory_space<vmem>>
      %dma_start3A_476 = arith.constant 0 : i32
      %dma_start3A_477 = tpu.memref_slice %arg2[%squeeze3A_465, %dma_start3A_476] : memref<1000000x64xf32, #tpu.memory_space<hbm>> -> memref<1x64xf32, #tpu.memory_space<hbm>>
      tpu.enqueue_dma source(%dma_start3A_477 : memref<1x64xf32, #tpu.memory_space<hbm>>) target(%dma_start3A_475 : memref<1x64xf32, #tpu.memory_space<vmem>>) target_semaphore(%arg12 : memref<!tpu.dma_semaphore, #tpu.memory_space<semaphore_mem>>)
      %slice3A_478 = vector.extract_strided_slice %get3A_74 {offsets = [14], sizes = [1], strides = [1]} : vector<16xi32> to vector<1xi32>
      %squeeze3A_479 = vector.extract %slice3A_478[0] : i32 from vector<1xi32>
      %mul3A_480 = arith.constant 16 : i32
      %mul3A_481 = arith.muli %scan3A_61, %mul3A_480 : i32
      %add3A_482 = arith.constant 14 : i32
      %add3A_483 = arith.addi %mul3A_481, %add3A_482 : i32
      %dma_start3A_484 = arith.constant 0 : i32
      %dma_start3A_485 = tpu.memref_slice %arg11[%add3A_483, %dma_start3A_484] : memref<256x64xf32, #tpu.memory_space<vmem>> -> memref<1x64xf32, #tpu.memory_space<vmem>>
      %dma_start3A_486 = arith.constant 0 : i32
      %dma_start3A_487 = tpu.memref_slice %arg3[%squeeze3A_479, %dma_start3A_486] : memref<1000000x64xf32, #tpu.memory_space<hbm>> -> memref<1x64xf32, #tpu.memory_space<hbm>>
      %dma_start3A_488 = arith.constant 0 : i32
      %dma_start3A_489 = tpu.memref_slice %arg11[%add3A_483, %dma_start3A_488] : memref<256x64xf32, #tpu.memory_space<vmem>> -> memref<1x64xf32, #tpu.memory_space<vmem>>
      %dma_start3A_490 = arith.constant 0 : i32
      %dma_start3A_491 = tpu.memref_slice %arg3[%squeeze3A_479, %dma_start3A_490] : memref<1000000x64xf32, #tpu.memory_space<hbm>> -> memref<1x64xf32, #tpu.memory_space<hbm>>
      tpu.enqueue_dma source(%dma_start3A_491 : memref<1x64xf32, #tpu.memory_space<hbm>>) target(%dma_start3A_489 : memref<1x64xf32, #tpu.memory_space<vmem>>) target_semaphore(%arg12 : memref<!tpu.dma_semaphore, #tpu.memory_space<semaphore_mem>>)
      %slice3A_492 = vector.extract_strided_slice %get3A_67 {offsets = [15], sizes = [1], strides = [1]} : vector<16xi32> to vector<1xi32>
      %squeeze3A_493 = vector.extract %slice3A_492[0] : i32 from vector<1xi32>
      %mul3A_494 = arith.constant 16 : i32
      %mul3A_495 = arith.muli %scan3A_61, %mul3A_494 : i32
      %add3A_496 = arith.constant 15 : i32
      %add3A_497 = arith.addi %mul3A_495, %add3A_496 : i32
      %dma_start3A_498 = arith.constant 0 : i32
      %dma_start3A_499 = tpu.memref_slice %arg10[%add3A_497, %dma_start3A_498] : memref<256x64xf32, #tpu.memory_space<vmem>> -> memref<1x64xf32, #tpu.memory_space<vmem>>
      %dma_start3A_500 = arith.constant 0 : i32
      %dma_start3A_501 = tpu.memref_slice %arg2[%squeeze3A_493, %dma_start3A_500] : memref<1000000x64xf32, #tpu.memory_space<hbm>> -> memref<1x64xf32, #tpu.memory_space<hbm>>
      %dma_start3A_502 = arith.constant 0 : i32
      %dma_start3A_503 = tpu.memref_slice %arg10[%add3A_497, %dma_start3A_502] : memref<256x64xf32, #tpu.memory_space<vmem>> -> memref<1x64xf32, #tpu.memory_space<vmem>>
      %dma_start3A_504 = arith.constant 0 : i32
      %dma_start3A_505 = tpu.memref_slice %arg2[%squeeze3A_493, %dma_start3A_504] : memref<1000000x64xf32, #tpu.memory_space<hbm>> -> memref<1x64xf32, #tpu.memory_space<hbm>>
      tpu.enqueue_dma source(%dma_start3A_505 : memref<1x64xf32, #tpu.memory_space<hbm>>) target(%dma_start3A_503 : memref<1x64xf32, #tpu.memory_space<vmem>>) target_semaphore(%arg12 : memref<!tpu.dma_semaphore, #tpu.memory_space<semaphore_mem>>)
      %slice3A_506 = vector.extract_strided_slice %get3A_74 {offsets = [15], sizes = [1], strides = [1]} : vector<16xi32> to vector<1xi32>
      %squeeze3A_507 = vector.extract %slice3A_506[0] : i32 from vector<1xi32>
      %mul3A_508 = arith.constant 16 : i32
      %mul3A_509 = arith.muli %scan3A_61, %mul3A_508 : i32
      %add3A_510 = arith.constant 15 : i32
      %add3A_511 = arith.addi %mul3A_509, %add3A_510 : i32
      %dma_start3A_512 = arith.constant 0 : i32
      %dma_start3A_513 = tpu.memref_slice %arg11[%add3A_511, %dma_start3A_512] : memref<256x64xf32, #tpu.memory_space<vmem>> -> memref<1x64xf32, #tpu.memory_space<vmem>>
      %dma_start3A_514 = arith.constant 0 : i32
      %dma_start3A_515 = tpu.memref_slice %arg3[%squeeze3A_507, %dma_start3A_514] : memref<1000000x64xf32, #tpu.memory_space<hbm>> -> memref<1x64xf32, #tpu.memory_space<hbm>>
      %dma_start3A_516 = arith.constant 0 : i32
      %dma_start3A_517 = tpu.memref_slice %arg11[%add3A_511, %dma_start3A_516] : memref<256x64xf32, #tpu.memory_space<vmem>> -> memref<1x64xf32, #tpu.memory_space<vmem>>
      %dma_start3A_518 = arith.constant 0 : i32
      %dma_start3A_519 = tpu.memref_slice %arg3[%squeeze3A_507, %dma_start3A_518] : memref<1000000x64xf32, #tpu.memory_space<hbm>> -> memref<1x64xf32, #tpu.memory_space<hbm>>
      tpu.enqueue_dma source(%dma_start3A_519 : memref<1x64xf32, #tpu.memory_space<hbm>>) target(%dma_start3A_517 : memref<1x64xf32, #tpu.memory_space<vmem>>) target_semaphore(%arg12 : memref<!tpu.dma_semaphore, #tpu.memory_space<semaphore_mem>>)
      %gt3A = arith.constant 0 : i32
      %gt3A_520 = arith.cmpi sgt, %scan3A_61, %gt3A : i32
      %convert_element_type3A = arith.extui %gt3A_520 : i1 to i32
      %cond3A = arith.constant 0 : i32
      %cond3A_521 = arith.cmpi ne, %convert_element_type3A, %cond3A : i32
      scf.if %cond3A_521 {
        %sub3A = arith.constant 1 : i32
        %sub3A_522 = arith.subi %scan3A_61, %sub3A : i32
        %mul3A_523 = arith.constant 16 : i32
        %mul3A_524 = arith.muli %sub3A_522, %mul3A_523 : i32
        %dma_wait3A_525 = arith.constant 0 : i32
        %dma_wait3A_526 = tpu.memref_slice %arg10[%mul3A_524, %dma_wait3A_525] : memref<256x64xf32, #tpu.memory_space<vmem>> -> memref<16x64xf32, #tpu.memory_space<vmem>>
        %dma_wait3A_527 = arith.constant 0 : i32
        %dma_wait3A_528 = arith.constant 0 : i32
        %dma_wait3A_529 = tpu.memref_slice %arg2[%dma_wait3A_527, %dma_wait3A_528] : memref<1000000x64xf32, #tpu.memory_space<hbm>> -> memref<16x64xf32, #tpu.memory_space<hbm>>
        %dma_wait3A_530 = arith.constant 0 : i32
        %dma_wait3A_531 = tpu.memref_slice %arg10[%mul3A_524, %dma_wait3A_530] : memref<256x64xf32, #tpu.memory_space<vmem>> -> memref<16x64xf32, #tpu.memory_space<vmem>>
        %dma_wait3A_532 = arith.constant 0 : i32
        %dma_wait3A_533 = arith.constant 0 : i32
        %dma_wait3A_534 = tpu.memref_slice %arg2[%dma_wait3A_532, %dma_wait3A_533] : memref<1000000x64xf32, #tpu.memory_space<hbm>> -> memref<16x64xf32, #tpu.memory_space<hbm>>
        tpu.wait_dma2 semaphore(%arg12 : memref<!tpu.dma_semaphore, #tpu.memory_space<semaphore_mem>>) src(%dma_wait3A_534 : memref<16x64xf32, #tpu.memory_space<hbm>>) dst(%dma_wait3A_531 : memref<16x64xf32, #tpu.memory_space<vmem>>)
        %sub3A_535 = arith.constant 1 : i32
        %sub3A_536 = arith.subi %scan3A_61, %sub3A_535 : i32
        %mul3A_537 = arith.constant 16 : i32
        %mul3A_538 = arith.muli %sub3A_536, %mul3A_537 : i32
        %dma_wait3A_539 = arith.constant 0 : i32
        %dma_wait3A_540 = tpu.memref_slice %arg11[%mul3A_538, %dma_wait3A_539] : memref<256x64xf32, #tpu.memory_space<vmem>> -> memref<16x64xf32, #tpu.memory_space<vmem>>
        %dma_wait3A_541 = arith.constant 0 : i32
        %dma_wait3A_542 = arith.constant 0 : i32
        %dma_wait3A_543 = tpu.memref_slice %arg3[%dma_wait3A_541, %dma_wait3A_542] : memref<1000000x64xf32, #tpu.memory_space<hbm>> -> memref<16x64xf32, #tpu.memory_space<hbm>>
        %dma_wait3A_544 = arith.constant 0 : i32
        %dma_wait3A_545 = tpu.memref_slice %arg11[%mul3A_538, %dma_wait3A_544] : memref<256x64xf32, #tpu.memory_space<vmem>> -> memref<16x64xf32, #tpu.memory_space<vmem>>
        %dma_wait3A_546 = arith.constant 0 : i32
        %dma_wait3A_547 = arith.constant 0 : i32
        %dma_wait3A_548 = tpu.memref_slice %arg3[%dma_wait3A_546, %dma_wait3A_547] : memref<1000000x64xf32, #tpu.memory_space<hbm>> -> memref<16x64xf32, #tpu.memory_space<hbm>>
        tpu.wait_dma2 semaphore(%arg12 : memref<!tpu.dma_semaphore, #tpu.memory_space<semaphore_mem>>) src(%dma_wait3A_548 : memref<16x64xf32, #tpu.memory_space<hbm>>) dst(%dma_wait3A_545 : memref<16x64xf32, #tpu.memory_space<vmem>>)
      } else {
      }
    }
    %scan3A_36 = arith.constant 16 : i32
    %dma_wait3A_37 = arith.constant 240 : i32
    %dma_wait3A_38 = arith.constant 0 : i32
    %dma_wait3A_39 = tpu.memref_slice %arg10[%dma_wait3A_37, %dma_wait3A_38] : memref<256x64xf32, #tpu.memory_space<vmem>> -> memref<16x64xf32, #tpu.memory_space<vmem>>
    %dma_wait3A_40 = arith.constant 0 : i32
    %dma_wait3A_41 = arith.constant 0 : i32
    %dma_wait3A_42 = tpu.memref_slice %arg2[%dma_wait3A_40, %dma_wait3A_41] : memref<1000000x64xf32, #tpu.memory_space<hbm>> -> memref<16x64xf32, #tpu.memory_space<hbm>>
    %dma_wait3A_43 = arith.constant 240 : i32
    %dma_wait3A_44 = arith.constant 0 : i32
    %dma_wait3A_45 = tpu.memref_slice %arg10[%dma_wait3A_43, %dma_wait3A_44] : memref<256x64xf32, #tpu.memory_space<vmem>> -> memref<16x64xf32, #tpu.memory_space<vmem>>
    %dma_wait3A_46 = arith.constant 0 : i32
    %dma_wait3A_47 = arith.constant 0 : i32
    %dma_wait3A_48 = tpu.memref_slice %arg2[%dma_wait3A_46, %dma_wait3A_47] : memref<1000000x64xf32, #tpu.memory_space<hbm>> -> memref<16x64xf32, #tpu.memory_space<hbm>>
    tpu.wait_dma2 semaphore(%arg12 : memref<!tpu.dma_semaphore, #tpu.memory_space<semaphore_mem>>) src(%dma_wait3A_48 : memref<16x64xf32, #tpu.memory_space<hbm>>) dst(%dma_wait3A_45 : memref<16x64xf32, #tpu.memory_space<vmem>>)
    %dma_wait3A_49 = arith.constant 240 : i32
    %dma_wait3A_50 = arith.constant 0 : i32
    %dma_wait3A_51 = tpu.memref_slice %arg11[%dma_wait3A_49, %dma_wait3A_50] : memref<256x64xf32, #tpu.memory_space<vmem>> -> memref<16x64xf32, #tpu.memory_space<vmem>>
    %dma_wait3A_52 = arith.constant 0 : i32
    %dma_wait3A_53 = arith.constant 0 : i32
    %dma_wait3A_54 = tpu.memref_slice %arg3[%dma_wait3A_52, %dma_wait3A_53] : memref<1000000x64xf32, #tpu.memory_space<hbm>> -> memref<16x64xf32, #tpu.memory_space<hbm>>
    %dma_wait3A_55 = arith.constant 240 : i32
    %dma_wait3A_56 = arith.constant 0 : i32
    %dma_wait3A_57 = tpu.memref_slice %arg11[%dma_wait3A_55, %dma_wait3A_56] : memref<256x64xf32, #tpu.memory_space<vmem>> -> memref<16x64xf32, #tpu.memory_space<vmem>>
    %dma_wait3A_58 = arith.constant 0 : i32
    %dma_wait3A_59 = arith.constant 0 : i32
    %dma_wait3A_60 = tpu.memref_slice %arg3[%dma_wait3A_58, %dma_wait3A_59] : memref<1000000x64xf32, #tpu.memory_space<hbm>> -> memref<16x64xf32, #tpu.memory_space<hbm>>
    tpu.wait_dma2 semaphore(%arg12 : memref<!tpu.dma_semaphore, #tpu.memory_space<semaphore_mem>>) src(%dma_wait3A_60 : memref<16x64xf32, #tpu.memory_space<hbm>>) dst(%dma_wait3A_57 : memref<16x64xf32, #tpu.memory_space<vmem>>)
    "tpu.region"() ({
      %run_scoped3A = tpu.sem_alloc : memref<!tpu.dma_semaphore, #tpu.memory_space<semaphore_mem>>
      %dma_start3A = arith.constant 0 : i32
      %dma_start3A_61 = tpu.memref_slice %arg6[%add3A_31, %dma_start3A] : memref<16384x64xf32, #tpu.memory_space<hbm>> -> memref<256x64xf32, #tpu.memory_space<hbm>>
      %dma_start3A_62 = arith.constant 0 : i32
      %dma_start3A_63 = tpu.memref_slice %arg6[%add3A_31, %dma_start3A_62] : memref<16384x64xf32, #tpu.memory_space<hbm>> -> memref<256x64xf32, #tpu.memory_space<hbm>>
      tpu.enqueue_dma source(%arg10 : memref<256x64xf32, #tpu.memory_space<vmem>>) target(%dma_start3A_63 : memref<256x64xf32, #tpu.memory_space<hbm>>) target_semaphore(%run_scoped3A : memref<!tpu.dma_semaphore, #tpu.memory_space<semaphore_mem>>)
      %dma_wait3A_64 = arith.constant 0 : i32
      %dma_wait3A_65 = tpu.memref_slice %arg6[%add3A_31, %dma_wait3A_64] : memref<16384x64xf32, #tpu.memory_space<hbm>> -> memref<256x64xf32, #tpu.memory_space<hbm>>
      %dma_wait3A_66 = arith.constant 0 : i32
      %dma_wait3A_67 = tpu.memref_slice %arg6[%add3A_31, %dma_wait3A_66] : memref<16384x64xf32, #tpu.memory_space<hbm>> -> memref<256x64xf32, #tpu.memory_space<hbm>>
      tpu.wait_dma2 semaphore(%run_scoped3A : memref<!tpu.dma_semaphore, #tpu.memory_space<semaphore_mem>>) src(%arg10 : memref<256x64xf32, #tpu.memory_space<vmem>>) dst(%dma_wait3A_67 : memref<256x64xf32, #tpu.memory_space<hbm>>)
      tpu.yield
    }) : () -> ()
    "tpu.region"() ({
      %run_scoped3A = tpu.sem_alloc : memref<!tpu.dma_semaphore, #tpu.memory_space<semaphore_mem>>
      %dma_start3A = arith.constant 0 : i32
      %dma_start3A_61 = tpu.memref_slice %arg7[%add3A_31, %dma_start3A] : memref<16384x64xf32, #tpu.memory_space<hbm>> -> memref<256x64xf32, #tpu.memory_space<hbm>>
      %dma_start3A_62 = arith.constant 0 : i32
      %dma_start3A_63 = tpu.memref_slice %arg7[%add3A_31, %dma_start3A_62] : memref<16384x64xf32, #tpu.memory_space<hbm>> -> memref<256x64xf32, #tpu.memory_space<hbm>>
      tpu.enqueue_dma source(%arg11 : memref<256x64xf32, #tpu.memory_space<vmem>>) target(%dma_start3A_63 : memref<256x64xf32, #tpu.memory_space<hbm>>) target_semaphore(%run_scoped3A : memref<!tpu.dma_semaphore, #tpu.memory_space<semaphore_mem>>)
      %dma_wait3A_64 = arith.constant 0 : i32
      %dma_wait3A_65 = tpu.memref_slice %arg7[%add3A_31, %dma_wait3A_64] : memref<16384x64xf32, #tpu.memory_space<hbm>> -> memref<256x64xf32, #tpu.memory_space<hbm>>
      %dma_wait3A_66 = arith.constant 0 : i32
      %dma_wait3A_67 = tpu.memref_slice %arg7[%add3A_31, %dma_wait3A_66] : memref<16384x64xf32, #tpu.memory_space<hbm>> -> memref<256x64xf32, #tpu.memory_space<hbm>>
      tpu.wait_dma2 semaphore(%run_scoped3A : memref<!tpu.dma_semaphore, #tpu.memory_space<semaphore_mem>>) src(%arg11 : memref<256x64xf32, #tpu.memory_space<vmem>>) dst(%dma_wait3A_67 : memref<256x64xf32, #tpu.memory_space<hbm>>)
      tpu.yield
    }) : () -> ()
    return
  }
}

module attributes {stable_mosaic.version = 14 : i64} {
  func.func @_mlp_body(%arg0: i32, %arg1: memref<2048x64xf32, #tpu.memory_space<vmem>>, %arg2: memref<2048x64xf32, #tpu.memory_space<vmem>>, %arg3: memref<64x40xf32, #tpu.memory_space<vmem>>, %arg4: memref<64x40xf32, #tpu.memory_space<vmem>>, %arg5: memref<1x40xf32, #tpu.memory_space<vmem>>, %arg6: memref<40x5xf32, #tpu.memory_space<vmem>>, %arg7: memref<1x5xf32, #tpu.memory_space<vmem>>, %arg8: memref<5x1xf32, #tpu.memory_space<vmem>>, %arg9: memref<1x1xf32, #tpu.memory_space<vmem>>, %arg10: memref<2048x1xf32, #tpu.memory_space<vmem>>) attributes {dimension_semantics = [#tpu.dimension_semantics<arbitrary>], iteration_bounds = array<i64: 8>, scalar_prefetch = 0 : i64, scratch_operands = 0 : i64, tpu.core_type = #tpu.core_type<tc>, window_params = [{transform_indices = @transform_0, window_bounds = array<i64: 2048, 64>}, {transform_indices = @transform_1, window_bounds = array<i64: 2048, 64>}, {pipeline_mode = #tpu.pipeline_mode<synchronous>, transform_indices = @transform_2, window_bounds = array<i64: 64, 40>}, {pipeline_mode = #tpu.pipeline_mode<synchronous>, transform_indices = @transform_3, window_bounds = array<i64: 64, 40>}, {pipeline_mode = #tpu.pipeline_mode<synchronous>, transform_indices = @transform_4, window_bounds = array<i64: 1, 40>}, {pipeline_mode = #tpu.pipeline_mode<synchronous>, transform_indices = @transform_5, window_bounds = array<i64: 40, 5>}, {pipeline_mode = #tpu.pipeline_mode<synchronous>, transform_indices = @transform_6, window_bounds = array<i64: 1, 5>}, {pipeline_mode = #tpu.pipeline_mode<synchronous>, transform_indices = @transform_7, window_bounds = array<i64: 5, 1>}, {pipeline_mode = #tpu.pipeline_mode<synchronous>, transform_indices = @transform_8, window_bounds = array<i64: 1, 1>}, {transform_indices = @transform_9, window_bounds = array<i64: 2048, 1>}]} {
    %get3A = arith.constant 0 : index
    %get3A_0 = arith.constant 0 : index
    %get3A_1 = vector.load %arg1[%get3A, %get3A_0] : memref<2048x64xf32, #tpu.memory_space<vmem>>, vector<2048x64xf32>
    %max3A = arith.constant 0.000000e+00 : f32
    %max3A_2 = vector.broadcast %max3A : f32 to vector<2048x64xf32>
    %max3A_3 = arith.maximumf %get3A_1, %max3A_2 : vector<2048x64xf32>
    %get3A_4 = arith.constant 0 : index
    %get3A_5 = arith.constant 0 : index
    %get3A_6 = vector.load %arg2[%get3A_4, %get3A_5] : memref<2048x64xf32, #tpu.memory_space<vmem>>, vector<2048x64xf32>
    %max3A_7 = arith.constant 0.000000e+00 : f32
    %max3A_8 = vector.broadcast %max3A_7 : f32 to vector<2048x64xf32>
    %max3A_9 = arith.maximumf %get3A_6, %max3A_8 : vector<2048x64xf32>
    %get3A_10 = arith.constant 0 : index
    %get3A_11 = arith.constant 0 : index
    %get3A_12 = vector.load %arg3[%get3A_10, %get3A_11] : memref<64x40xf32, #tpu.memory_space<vmem>>, vector<64x40xf32>
    %dot_general3A = arith.constant dense<0.000000e+00> : vector<2048x40xf32>
    %dot_general3A_13 = tpu.matmul %max3A_3, %get3A_12, %dot_general3A {dimension_numbers = #tpu.dot_dimension_numbers<[1], [0], [0], [1], [0, 0, 1, 1], [], []>, transpose_lhs_hint = false} : vector<2048x64xf32>, vector<64x40xf32>, vector<2048x40xf32> -> vector<2048x40xf32>
    %get3A_14 = arith.constant 0 : index
    %get3A_15 = arith.constant 0 : index
    %get3A_16 = vector.load %arg4[%get3A_14, %get3A_15] : memref<64x40xf32, #tpu.memory_space<vmem>>, vector<64x40xf32>
    %dot_general3A_17 = arith.constant dense<0.000000e+00> : vector<2048x40xf32>
    %dot_general3A_18 = tpu.matmul %max3A_9, %get3A_16, %dot_general3A_17 {dimension_numbers = #tpu.dot_dimension_numbers<[1], [0], [0], [1], [0, 0, 1, 1], [], []>, transpose_lhs_hint = false} : vector<2048x64xf32>, vector<64x40xf32>, vector<2048x40xf32> -> vector<2048x40xf32>
    %add3A = arith.addf %dot_general3A_13, %dot_general3A_18 : vector<2048x40xf32>
    %get3A_19 = arith.constant 0 : index
    %get3A_20 = arith.constant 0 : index
    %get3A_21 = vector.load %arg5[%get3A_19, %get3A_20] : memref<1x40xf32, #tpu.memory_space<vmem>>, vector<1x40xf32>
    %add3A_22 = vector.broadcast %get3A_21 : vector<1x40xf32> to vector<2048x40xf32>
    %add3A_23 = arith.addf %add3A, %add3A_22 : vector<2048x40xf32>
    %max3A_24 = arith.constant 0.000000e+00 : f32
    %max3A_25 = vector.broadcast %max3A_24 : f32 to vector<2048x40xf32>
    %max3A_26 = arith.maximumf %add3A_23, %max3A_25 : vector<2048x40xf32>
    %get3A_27 = arith.constant 0 : index
    %get3A_28 = arith.constant 0 : index
    %get3A_29 = vector.load %arg6[%get3A_27, %get3A_28] : memref<40x5xf32, #tpu.memory_space<vmem>>, vector<40x5xf32>
    %dot_general3A_30 = arith.constant dense<0.000000e+00> : vector<2048x5xf32>
    %dot_general3A_31 = tpu.matmul %max3A_26, %get3A_29, %dot_general3A_30 {dimension_numbers = #tpu.dot_dimension_numbers<[1], [0], [0], [1], [0, 0, 1, 1], [], []>, transpose_lhs_hint = false} : vector<2048x40xf32>, vector<40x5xf32>, vector<2048x5xf32> -> vector<2048x5xf32>
    %get3A_32 = arith.constant 0 : index
    %get3A_33 = arith.constant 0 : index
    %get3A_34 = vector.load %arg7[%get3A_32, %get3A_33] : memref<1x5xf32, #tpu.memory_space<vmem>>, vector<1x5xf32>
    %add3A_35 = vector.broadcast %get3A_34 : vector<1x5xf32> to vector<2048x5xf32>
    %add3A_36 = arith.addf %dot_general3A_31, %add3A_35 : vector<2048x5xf32>
    %max3A_37 = arith.constant 0.000000e+00 : f32
    %max3A_38 = vector.broadcast %max3A_37 : f32 to vector<2048x5xf32>
    %max3A_39 = arith.maximumf %add3A_36, %max3A_38 : vector<2048x5xf32>
    %get3A_40 = arith.constant 0 : index
    %get3A_41 = arith.constant 0 : index
    %get3A_42 = vector.load %arg8[%get3A_40, %get3A_41] : memref<5x1xf32, #tpu.memory_space<vmem>>, vector<5x1xf32>
    %dot_general3A_43 = arith.constant dense<0.000000e+00> : vector<2048x1xf32>
    %dot_general3A_44 = tpu.matmul %max3A_39, %get3A_42, %dot_general3A_43 {dimension_numbers = #tpu.dot_dimension_numbers<[1], [0], [0], [1], [0, 0, 1, 1], [], []>, transpose_lhs_hint = false} : vector<2048x5xf32>, vector<5x1xf32>, vector<2048x1xf32> -> vector<2048x1xf32>
    %get3A_45 = arith.constant 0 : index
    %get3A_46 = arith.constant 0 : index
    %get3A_47 = vector.load %arg9[%get3A_45, %get3A_46] : memref<1x1xf32, #tpu.memory_space<vmem>>, vector<1x1xf32>
    %add3A_48 = vector.broadcast %get3A_47 : vector<1x1xf32> to vector<2048x1xf32>
    %add3A_49 = arith.addf %dot_general3A_44, %add3A_48 : vector<2048x1xf32>
    %max3A_50 = arith.constant 0.000000e+00 : f32
    %max3A_51 = vector.broadcast %max3A_50 : f32 to vector<2048x1xf32>
    %max3A_52 = arith.maximumf %add3A_49, %max3A_51 : vector<2048x1xf32>
    %swap3A = arith.constant 0 : index
    %swap3A_53 = arith.constant 0 : index
    %swap3A_54 = vector.load %arg10[%swap3A, %swap3A_53] : memref<2048x1xf32, #tpu.memory_space<vmem>>, vector<2048x1xf32>
    tpu.vector_store %arg10[%swap3A, %swap3A_53], %max3A_52 {strides = array<i32>} : memref<2048x1xf32, #tpu.memory_space<vmem>>, vector<2048x1xf32>,
    return
  }
  func.func @transform_0(%arg0: i32) -> (i32, i32) {
    %c0_i32 = arith.constant 0 : i32
    %c0_i32_0 = arith.constant 0 : i32
    return %arg0, %c0_i32 : i32, i32
  }
  func.func @transform_1(%arg0: i32) -> (i32, i32) {
    %c0_i32 = arith.constant 0 : i32
    %c0_i32_0 = arith.constant 0 : i32
    return %arg0, %c0_i32 : i32, i32
  }
  func.func @transform_2(%arg0: i32) -> (i32, i32) {
    %c0_i32 = arith.constant 0 : i32
    %c0_i32_0 = arith.constant 0 : i32
    %c0_i32_1 = arith.constant 0 : i32
    return %c0_i32, %c0_i32_0 : i32, i32
  }
  func.func @transform_3(%arg0: i32) -> (i32, i32) {
    %c0_i32 = arith.constant 0 : i32
    %c0_i32_0 = arith.constant 0 : i32
    %c0_i32_1 = arith.constant 0 : i32
    return %c0_i32, %c0_i32_0 : i32, i32
  }
  func.func @transform_4(%arg0: i32) -> (i32, i32) {
    %c0_i32 = arith.constant 0 : i32
    %c0_i32_0 = arith.constant 0 : i32
    %c0_i32_1 = arith.constant 0 : i32
    return %c0_i32, %c0_i32_0 : i32, i32
  }
  func.func @transform_5(%arg0: i32) -> (i32, i32) {
    %c0_i32 = arith.constant 0 : i32
    %c0_i32_0 = arith.constant 0 : i32
    %c0_i32_1 = arith.constant 0 : i32
    return %c0_i32, %c0_i32_0 : i32, i32
  }
  func.func @transform_6(%arg0: i32) -> (i32, i32) {
    %c0_i32 = arith.constant 0 : i32
    %c0_i32_0 = arith.constant 0 : i32
    %c0_i32_1 = arith.constant 0 : i32
    return %c0_i32, %c0_i32_0 : i32, i32
  }
  func.func @transform_7(%arg0: i32) -> (i32, i32) {
    %c0_i32 = arith.constant 0 : i32
    %c0_i32_0 = arith.constant 0 : i32
    %c0_i32_1 = arith.constant 0 : i32
    return %c0_i32, %c0_i32_0 : i32, i32
  }
  func.func @transform_8(%arg0: i32) -> (i32, i32) {
    %c0_i32 = arith.constant 0 : i32
    %c0_i32_0 = arith.constant 0 : i32
    %c0_i32_1 = arith.constant 0 : i32
    return %c0_i32, %c0_i32_0 : i32, i32
  }
  func.func @transform_9(%arg0: i32) -> (i32, i32) {
    %c0_i32 = arith.constant 0 : i32
    %c0_i32_0 = arith.constant 0 : i32
    return %arg0, %c0_i32 : i32, i32
  }
}

</mosaic_0001>

<sc_bundles>
// kernel: kernel.4.cloned.1.call-start
scs
__scs_entry_jumppad:
0x0: {  	(pc) =	sbr.rel $0x88, $3  }
0x1: {  	(tag) =	ssettag $0x0;
	lr =	simm.s32 $0x1  }
0x2: {  	[smem:$0x3F98] =	sst lr;
	_ =	strace $0xD0000000  }
0x3: {  	_ = 	snop  }
0x4: {  	_ = 	snop  }
0x5: {  	_ = 	snop  }
0x6: {  	_ = 	snop  }
0x7: {  	_ = 	snop  }
__scs_overlays_trampoline_lowered:
0x8: {  	[smem:$0x3FA7] =	sst s0  }
0x9: {  	[smem:$0x3FA8] =	sst s1  }
0xa: {  	[smem:$0x3FA9] =	sst s2  }
0xb: {  	[smem:$0x3FAA] =	sst s3  }
0xc: {  	[smem:$0x3FAB] =	sst s4  }
0xd: {  	[smem:$0x3FAC] =	sst s5  }
0xe: {  	[smem:$0x3FAD] =	sst s6  }
0xf: {  	[smem:$0x3FAE] =	sst s7  }
0x10: {  	[smem:$0x3FAF] =	sst s8  }
0x11: {  	[smem:$0x3FB0] =	sst s9;
	s0 =	simm.s32 @!p0 $0x0  }
0x12: {  	s1 =	sld [smem:$0x3F96];
	s0 =	simm.s32 @p0 $0x1  }
0x13: {  	[smem:$0x3FB1] =	sst s0;
	s0 =	simm.s32 @!p1 $0x0  }
0x14: {  	s2 =	sld [smem:$0x3F95];
	s0 =	simm.s32 @p1 $0x1  }
0x15: {  	[smem:$0x3FB2] =	sst s0;
	s0 =	simm.s32 @!p2 $0x0  }
0x16: {  	s3 =	sld [smem:$0x3FDB];
	s0 =	simm.s32 @p2 $0x1  }
0x17: {  	s4 =	simm.s32 $0x1BF5;
	[smem:$0x3FB4] =	sst s0  }
0x18: {  	s0 =	sld [smem:$0x3F97];
	_ =	swait.ge [sflag:s4], $0x0  }
0x19: {  	s7 =	sld [smem:$0x3F98]  }
0x1a: {  	s8 =	sadd.s32 $0xFFFFE003, lr  }
0x1b: {  	s9 =	sadd.s32 $0xFFFFFEF7, lr;
	s5 =	simm.s32 $0xFFFFFFFF;
	p2 =	slt.u32 s8, $0xFFFFF086  }
0x1c: {  	p1 =	slt.u32 s9, $0xF7A;
	s5 =	simm.s32 @!p2 $0x0  }
0x1d: {  	s5 =	simm.s32 @p1 $0x1;
	p0 =	seq.s32 s7, s2  }
0x1e: {  	s7 =	smul.u32 @!p0 $0xF7A, s2;
	p2 =	seq.s32 @!p0 s5, $0x0  }
0x1f: {  	s9 =	smul.u32 $0xF7A, s1;
	s8 =	simm.s32 @!p0 $0x1BF5;
	p2 =	por !p2, p0  }
0x20: {  	[sflag:s8] =	ssyncset.s32 @!p0 $0xFFFFF086;
	s6 =	sadd.s32 @!p0 s3, s7;
	s7 =	simm.s32 @!p0 $0x108  }
0x21: {  	s3 =	sadd.s32 s3, s9;
	s6 =	sadd.s32 @!p0 $0x88, s6;
	s7 =	simm.s32 @p2 $0x1082  }
0x22: {  	[simem:s7], [sflag:s8] =	dma.local @!p0 [hbm:s6], $0xF7A  }
0x23: {  	s9 =	sor.u32 $0xD0000000, s2;
	s6 =	simm.s32 $0x108;
	_ =	swait.ge @!p0 [sflag:s8], $0x0  }
0x24: {  	s3 =	sadd.s32 $0x88, s3;
	s6 =	simm.s32 @!p1 $0x1082;
	[sflag:s4] =	ssyncset.s32 $0xFFFFF086  }
0x25: {  	[simem:s6], [sflag:s4] =	dma.local [hbm:s3], $0xF7A  }
0x26: {  	[smem:$0x3F98] =	sst s1;
	(tag) =	ssettag s2;
	_ =	strace s9  }
0x27: {  	s1 =	sld [smem:$0x3FA8]  }
0x28: {  	s2 =	sld [smem:$0x3FA9]  }
0x29: {  	s4 =	sld [smem:$0x3FAB]  }
0x2a: {  	p0 =	seq.s32 s5, $0x0;
	s5 =	sld [smem:$0x3FAC]  }
0x2b: {  	s6 =	sld [smem:$0x3FAD]  }
0x2c: {  	s7 =	sld [smem:$0x3FAE]  }
0x2d: {  	s3 =	simm.s32 $0x108;
	s8 =	sld [smem:$0x3FAF]  }
0x2e: {  	s3 =	simm.s32 @!p0 $0x1082;
	s9 =	sld [smem:$0x3FB0]  }
0x2f: {  	lr =	sadd.s32 s0, s3;
	s0 =	sld [smem:$0x3FA7]  }
0x30: {  	s3 =	sld [smem:$0x3FAA]  }
0x31: {  	[smem:$0x3FB3] =	sst s10  }
0x32: {  	s10 =	sld [smem:$0x3FB1];
	_ =	sdelay $0x3  }
0x33: {  	p0 =	seq.s32 s10, $0x1;
	s10 =	sld [smem:$0x3FB3];
	_ =	sdelay $0x3  }
0x34: {  	[smem:$0x3FB3] =	sst s10  }
0x35: {  	s10 =	sld [smem:$0x3FB2];
	_ =	sdelay $0x3  }
0x36: {  	p1 =	seq.s32 s10, $0x1;
	s10 =	sld [smem:$0x3FB3];
	_ =	sdelay $0x3  }
0x37: {  	[smem:$0x3FB3] =	sst s10  }
0x38: {  	s10 =	sld [smem:$0x3FB4]  }
0x39: {  	_ = 	snop;
	(pc) =	sbr.ind lr, $3  }
0x3a: {  	_ = 	snop  }
0x3b: {  	_ = 	snop  }
0x3c: {  	p2 =	seq.s32 s10, $0x1;
	s10 =	sld [smem:$0x3FB3]  }
0x3d: {  	_ =	shalt  }
0x3e: {  	_ =	shalt  }
0x3f: {  	_ =	shalt  }
0x40: {  	_ =	shalt  }
0x41: {  	_ =	shalt  }
0x42: {  	_ =	shalt  }
0x43: {  	_ =	shalt  }
0x44: {  	_ =	shalt  }
0x45: {  	_ =	shalt  }
0x46: {  	_ =	shalt  }
0x47: {  	_ =	shalt  }
0x48: {  	_ =	shalt  }
0x49: {  	_ =	shalt  }
0x4a: {  	_ =	shalt  }
0x4b: {  	_ =	shalt  }
0x4c: {  	_ =	shalt  }
0x4d: {  	_ =	shalt  }
0x4e: {  	_ =	shalt  }
0x4f: {  	_ =	shalt  }
0x50: {  	_ =	shalt  }
0x51: {  	_ =	shalt  }
0x52: {  	_ =	shalt  }
0x53: {  	_ =	shalt  }
0x54: {  	_ =	shalt  }
0x55: {  	_ =	shalt  }
0x56: {  	_ =	shalt  }
0x57: {  	_ =	shalt  }
0x58: {  	_ =	shalt  }
0x59: {  	_ =	shalt  }
0x5a: {  	_ =	shalt  }
0x5b: {  	_ =	shalt  }
0x5c: {  	_ =	shalt  }
0x5d: {  	_ =	shalt  }
0x5e: {  	_ =	shalt  }
0x5f: {  	_ =	shalt  }
0x60: {  	_ =	shalt  }
0x61: {  	_ =	shalt  }
0x62: {  	_ =	shalt  }
0x63: {  	_ =	shalt  }
0x64: {  	_ =	shalt  }
0x65: {  	_ =	shalt  }
0x66: {  	_ =	shalt  }
0x67: {  	_ =	shalt  }
0x68: {  	_ =	shalt  }
0x69: {  	_ =	shalt  }
0x6a: {  	_ =	shalt  }
0x6b: {  	_ =	shalt  }
0x6c: {  	_ =	shalt  }
0x6d: {  	_ =	shalt  }
0x6e: {  	_ =	shalt  }
0x6f: {  	_ =	shalt  }
0x70: {  	_ =	shalt  }
0x71: {  	_ =	shalt  }
0x72: {  	_ =	shalt  }
0x73: {  	_ =	shalt  }
0x74: {  	_ =	shalt  }
0x75: {  	_ =	shalt  }
0x76: {  	_ =	shalt  }
0x77: {  	_ =	shalt  }
0x78: {  	_ =	shalt  }
0x79: {  	_ =	shalt  }
0x7a: {  	_ =	shalt  }
0x7b: {  	_ =	shalt  }
0x7c: {  	_ =	shalt  }
0x7d: {  	_ =	shalt  }
0x7e: {  	_ =	shalt  }
0x7f: {  	_ =	shalt  }
0x80: {  	_ =	shalt  }
0x81: {  	_ =	shalt  }
0x82: {  	_ =	shalt  }
0x83: {  	_ =	shalt  }
0x84: {  	_ =	shalt  }
0x85: {  	_ =	shalt  }
0x86: {  	_ =	shalt  }
0x87: {  	_ =	shalt  }
.Lfunc_end0:
.L_simem_size_0:
called_computation_lowered:
.L_overlay_start_0:
0x88: {  	s2 =	sld [smem:$0x3FD9]  }
0x89: {  	s3 =	sld [smem:$0x3FFE];
	_ =	sdelay $0x1  }
0x8a: {  	s1 =	srdreg.scid  }
0x8b: {  	s0 =	sand.u32 $0x1, s1  }
0x8c: {  	s17 =	sshll.u32 s0, $0xA;
	s2 =	sadd.s32 s3, s2  }
0x8d: {  	s2 =	sadd.s32 s2, s17  }
0x8e: {  	[smem:$0x3FBF] =	sst s2  }
0x8f: {  	_ = 	snop  }
0x90: {  	s2 =	sld [smem:$0x3FD0];
	(tm) =	ssettm $0x1  }
0x91: {  	s18 =	sld [smem:$0x3FFB];
	_ =	sdelay $0x3  }
0x92: {  	_ =	strace s18  }
0x93: {  	s3 =	sld [smem:$0x3FFC];
	_ =	sdelay $0x3  }
0x94: {  	_ =	strace s3  }
0x95: {  	s3 =	sld [smem:$0x3FFD];
	_ =	sdelay $0x3  }
0x96: {  	_ =	strace s3  }
0x97: {  	_ =	strace $0x8FFFFFFF  }
0x98: {  	s19 =	sld [smem:$0x3FDB];
	_ =	sdelay $0x1  }
0x99: {  	s4 =	simm.s32 $_scs_section_size  }
0x9a: {  	s5 =	simm.s32 $_size__tile_overlayer_lowered;
	s6 =	simm.s32 $_tile_overlayer_lowered  }
0x9b: {  	s22 =	simm.s32 $0x1BFF;
	s21 =	sshll.u32 s6, $0x1;
	s3 =	sadd.s32 s4, s19  }
0x9c: {  	s7 =	simm.s32 $0x0;
	s20 =	sshll.u32 s5, $0x1;
	s5 =	sadd.s32 s21, s3  }
0x9d: {  	[timem:s7], [sflag:s22] =	dma.local [hbm:s5], s20  }
0x9e: {  	_ =	swait.ge [sflag:s22], s20  }
0x9f: {  	s4 =	ssub.s32 $0x0, s20;
	[sflag:s22] =	ssyncset.done $0x0  }
0xa0: {  	[sflag:s22] =	ssyncadd.s32 s4;
	_ =	sdelay $0x1  }
0xa1: {  	s23 =	simm.s32 $0x1B8B  }
0xa2: {  	_ =	swait.ge [sflag:s23], $0x1  }
0xa3: {  	[sflag:s23] =	ssyncset.done $0x0  }
0xa4: {  	s25 =	simm.s32 $0x1B8E;
	s24 =	sld [smem:$0x3FFE];
	[sflag:s23] =	ssyncadd.s32 $0xFFFFFFFF  }
0xa5: {  	s26 =	simm.s32 $execute0_lowered;
	[smem:$0x3FD2] =	sst s25  }
0xa6: {  	s5 =	sshll.u32 s26, $0x1;
	_ =	strace $0x80000046;
	[dreg:$0x1] =	wrdreg $0xFFFFFFFF  }
0xa7: {  	s28 =	simm.s32 $_size_execute0_lowered;
	s3 =	sadd.s32 s3, s5;
	[dreg:$0x0] =	wrdreg $0x0  }
0xa8: {  	s5 =	sshll.u32 s28, $0x1;
	[dreg:$0x2] =	wrdreg s3  }
0xa9: {  	[dreg:$0x3] =	wrdreg s5  }
0xaa: {  	[dreg:$0x4] =	wrdreg $0xC0  }
0xab: {  	_ =	task [dreg:s7], $0x5FFFF  }
0xac: {  	[dreg:$0x1] =	wrdreg $0xFFFFFFFF  }
0xad: {  	[dreg:$0x0] =	wrdreg $0x60  }
0xae: {  	[dreg:$0x2] =	wrdreg s24  }
0xaf: {  	[dreg:$0x3] =	wrdreg s2  }
0xb0: {  	[dreg:$0x4] =	wrdreg $0x9  }
0xb1: {  	_ =	task.clear_ibuf [dreg:s7], $0x5FFFF;
	_ =	strace $0x90000046  }
0xb2: {  	s29 =	simm.s32 $0x9;
	_ =	strace $0x80000048  }
0xb3: {  	_ =	swait.ge [sflag:s29], $0x1  }
0xb4: {  	[sflag:s29] =	ssyncadd.s32 $0xFFFFFFFF  }
0xb5: {  	_ =	strace $0x90000048  }
0xb6: {  	_ =	sfence  }
0xb7: {  	s30 =	sld [smem:$0x0];
	_ =	sdelay $0x2  }
0xb8: {  	s31 =	sshll.u32 s1, $0xD;
	s1 =	sshrl.u32 s1, $0x2  }
0xb9: {  	s3 =	sand.u32 $0x4000, s31;
	s1 =	sadd.s32 s1, s30  }
0xba: {  	s0 =	sor.u32 s3, s0;
	s1 =	sshll.u32 s1, $0x11  }
0xbb: {  	s0 =	sor.u32 s1, s0  }
0xbc: {  	s0 =	sadd.s32 $0x8F2B, s0  }
0xbd: {  	[sflag:s0] =	ssyncadd.remote.s32 $0x1  }
0xbe: {  	_ =	sfence.sel $0xFFFF  }
0xbf: {  	[dreg:$0x0] =	wrdreg $0xFFFFFFFF;
	(pc) =	sbr.abs _section_cstart, $3  }
0xc0: {  	[dreg:$0x1] =	wrdreg $0xFFFFFFFF  }
0xc1: {  	_ =	task.clear_ibuf [dreg:s7], $0x2FFFF;
	_ =	strace $0x9FFFFFFF  }
0xc2: {  	(tm) =	ssettm $0x7FFFFFFF  }
0xc3: {  	_ =	shalt  }
tec
execute0_lowered:
.L_overlay_start_1:
0x0: {  	(tag) =	ssettag $0x1  }
0x1: {  	s0 =	rddreg [dreg:$0x0]  }
0x2: {  	s1 =	rddreg [dreg:$0x1]  }
0x3: {  	s2 =	srdreg.scid;
	s3 =	stileid.u32  }
0x4: {  	s5 =	sand.u32 $0x1, s2;
	s2 =	simm.s32 $0x0;
	s3 =	sshll.u32 s3, $0xA  }
0x5: {  	s9 =	sadd.s32 $0x1E86800, s0;
	s4 =	sshll.u32 s5, $0x9;
	[smem:$0x7FF] =	sst s2  }
0x6: {  	s5 =	ssub.s32 $0x2, s5;
	s6 =	sor.u32 s4, s3;
	_ =	strace $0x80000047  }
0x7: {  	s3 =	sadd.s32 $0x2000, s0;
	s4 =	sadd.s32 $0xF44400, s0;
	s7 =	sshrl.u32 s6, $0x3  }
0x8: {  	s10 =	sshrl.u32 s5, $0x1;
	s6 =	sshll.u32 s6, $0x4;
	s1 =	sadd.s32 s1, s7  }
0x9: {  	s5 =	ssub.s32 s5, s10;
	s28 =	sadd.s32 s9, s6;
	[dreg:$0x18] =	wrdreg s1  }
0xa: {  	s8 =	sadd.s32 s7, s0;
	s31 =	smax.u32 s5, $0x1;
	[dreg:$0x19] =	wrdreg s28  }
0xb: {  	s0 =	sadd.s32 $0x1EC6800, s0;
	s8 =	sadd.s32 $0x1800, s8;
	[dreg:$0x1d] =	wrdreg s31  }
0xc: {  	s29 =	sor.u32 $0x1000, s6;
	s6 =	sadd.s32 s0, s6;
	[dreg:$0x17] =	wrdreg s8  }
0xd: {  	s30 =	sadd.s32 s9, s29;
	[dreg:$0x1a] =	wrdreg s6  }
0xe: {  	s0 =	sadd.s32 s0, s29;
	[dreg:$0x1b] =	wrdreg s30  }
0xf: {  	s5 =	simm.s32 $0x2;
	s1 =	simm.s32 $0x0;
	[dreg:$0x1c] =	wrdreg s0  }
.LBB2_1:
0x10: {  	[dreg:$0x1e] =	wrdreg s1  }
0x11: {  	s0 =	rddreg [dreg:$0x17]  }
0x12: {  	[tilespmem:s2], [sflag:$0x2] =	stream.linear.gather [hbm4b:s0+s2], $0x200, $0x38;
	[tilespmem:$0x10400] =	vst v63  }
0x13: {  	_ =	swait.ge [sflag:s5], $0x200  }
0x14: {  	[sflag:s5] =	ssyncset.done $0x0  }
0x15: {  	s24 =	simm.s32 $0x200;
	s25 =	rddreg [dreg:$0x18];
	[sflag:s5] =	ssyncadd.s32 $0xFFFFFE00  }
0x16: {  	[tilespmem:s24], [sflag:$0x2] =	stream.linear.gather [hbm4b:s25+s2], $0x200, $0x38;
	[tilespmem:$0x10400] =	vst v63  }
0x17: {  	_ =	swait.ge [sflag:s5], $0x200  }
0x18: {  	[sflag:s5] =	ssyncset.done $0x0  }
0x19: {  	[sflag:s5] =	ssyncadd.s32 $0xFFFFFE00  }
0x1a: {  	v0 =	vld [tilespmem:s2+$0x0]  }
0x1b: {  	v2 =	vld [tilespmem:s24+$0x0];
	_ =	sdelay $0x3  }
0x1c: {  	v1 =	vshll.u32 v0, $0x4  }
0x1d: {  	v63 =	vshll.u32 v2, $0x4;
	(v2sf) =	vpush v1, $0x0  }
0x1e: {  	(v2sf) =	vpush v63, $0x0  }
0x1f: {  	(v2sf) =	vpush v1, $0x1;
	_ =	sdelay $0x1  }
0x20: {  	(v2sf) =	vpush v63, $0x1  }
0x21: {  	(v2sf) =	vpush v1, $0x2;
	_ =	sdelay $0x3  }
0x22: {  	(v2sf) =	vpush v63, $0x2;
	_ =	sdelay $0x1  }
0x23: {  	s17 =	simm.s32 $0x2000;
	s18 =	simm.s32 $0x0;
	s26 =	simm.s32 $0x8400;
	(v2sf) =	vpush v1, $0x3  }
0x24: {  	s7 =	simm.s32 $0x680;
	s1 =	simm.s32 $0x880;
	s6 =	simm.s32 $0x400  }
0x25: {  	s9 =	simm.s32 $0x600;
	s30 =	simm.s32 $0x480;
	s11 =	simm.s32 $0x500;
	(v2sf) =	vpush v63, $0x3  }
0x26: {  	s13 =	simm.s32 $0x8500;
	s16 =	simm.s32 $0x580;
	s21 =	simm.s32 $0x8580  }
0x27: {  	p0 =	por $0x1, $0x1;
	s25 =	simm.s32 $0x8600;
	s28 =	spop (v2sf)  }
0x28: {  	s5 =	simm.s32 $0x8980;
	s0 =	sand.u32 $0x1FFFFFF0, s28;
	s8 =	spop (v2sf)  }
0x29: {  	(v2sf) =	vpush v1, $0x4;
	s0 =	sadd.s32 s3, s0;
	s8 =	sand.u32 $0x1FFFFFF0, s8;
	s29 =	spop (v2sf)  }
0x2a: {  	(v2sf) =	vpush v63, $0x4;
	[tilespmem:s6], [sflag:$0x1] =	stream.linear.gather [hbm4b:s0+s2], $0x80, $0x38;
	[tilespmem:$0x10400] =	vst v63  }
0x2b: {  	s0 =	simm.s32 $0x8900;
	s8 =	sadd.s32 s4, s8;
	s31 =	spop (v2sf)  }
0x2c: {  	(v2sf) =	vpush v1, $0x5;
	s6 =	sand.u32 $0x1FFFFFF0, s29;
	s29 =	simm.s32 $0x8680;
	s10 =	spop (v2sf)  }
0x2d: {  	[tilespmem:s26], [sflag:$0x1] =	stream.linear.gather [hbm4b:s8+s2], $0x80, $0x38;
	[tilespmem:$0x10400] =	vst v63  }
0x2e: {  	s6 =	sadd.s32 s3, s6;
	s8 =	sand.u32 $0x1FFFFFF0, s31;
	s10 =	sand.u32 $0x1FFFFFF0, s10  }
0x2f: {  	(v2sf) =	vpush v63, $0x5;
	[tilespmem:s30], [sflag:$0x1] =	stream.linear.gather [hbm4b:s6+s2], $0x80, $0x38;
	[tilespmem:$0x10400] =	vst v63  }
0x30: {  	s12 =	spop (v2sf);
	s8 =	sadd.s32 s4, s8;
	s6 =	simm.s32 $0x8480  }
0x31: {  	(v2sf) =	vpush v1, $0x6;
	[tilespmem:s6], [sflag:$0x1] =	stream.linear.gather [hbm4b:s8+s2], $0x80, $0x38;
	[tilespmem:$0x10400] =	vst v63  }
0x32: {  	s14 =	spop (v2sf);
	s8 =	sadd.s32 s3, s10;
	s6 =	sand.u32 $0x1FFFFFF0, s12  }
0x33: {  	(v2sf) =	vpush v63, $0x6;
	[tilespmem:s11], [sflag:$0x1] =	stream.linear.gather [hbm4b:s8+s2], $0x80, $0x38;
	[tilespmem:$0x10400] =	vst v63  }
0x34: {  	s15 =	spop (v2sf);
	s6 =	sadd.s32 s4, s6;
	s8 =	sand.u32 $0x1FFFFFF0, s14  }
0x35: {  	[tilespmem:s13], [sflag:$0x1] =	stream.linear.gather [hbm4b:s6+s2], $0x80, $0x38;
	[tilespmem:$0x10400] =	vst v63  }
0x36: {  	s20 =	sand.u32 $0x1FFFFFF0, s15;
	s11 =	simm.s32 $0x8700;
	s19 =	sadd.s32 s3, s8  }
0x37: {  	(v2sf) =	vpush v1, $0x7;
	[tilespmem:s16], [sflag:$0x1] =	stream.linear.gather [hbm4b:s19+s2], $0x80, $0x38;
	[tilespmem:$0x10400] =	vst v63  }
0x38: {  	s8 =	sadd.s32 s4, s20;
	s13 =	simm.s32 $0x780;
	s22 =	spop (v2sf)  }
0x39: {  	(v2sf) =	vpush v63, $0x7;
	s16 =	simm.s32 $0x8780;
	s6 =	sand.u32 $0x1FFFFFF0, s22;
	s23 =	spop (v2sf)  }
0x3a: {  	(v2sf) =	vpush v1, $0x8;
	[tilespmem:s21], [sflag:$0x1] =	stream.linear.gather [hbm4b:s8+s2], $0x80, $0x38;
	[tilespmem:$0x10400] =	vst v63  }
0x3b: {  	s6 =	sadd.s32 s3, s6;
	s8 =	sand.u32 $0x1FFFFFF0, s23;
	s24 =	spop (v2sf)  }
0x3c: {  	(v2sf) =	vpush v63, $0x8;
	s21 =	simm.s32 $0x800;
	s23 =	simm.s32 $0x8800;
	s8 =	sadd.s32 s4, s8  }
0x3d: {  	[tilespmem:s9], [sflag:$0x1] =	stream.linear.gather [hbm4b:s6+s2], $0x80, $0x38;
	[tilespmem:$0x10400] =	vst v63  }
0x3e: {  	s26 =	sand.u32 $0x1FFFFFF0, s24;
	s28 =	spop (v2sf);
	(v2sf) =	vpush v1, $0x9;
	s6 =	simm.s32 $0xA00  }
0x3f: {  	[tilespmem:s25], [sflag:$0x1] =	stream.linear.gather [hbm4b:s8+s2], $0x80, $0x38;
	[tilespmem:$0x10400] =	vst v63  }
0x40: {  	s9 =	sadd.s32 s3, s26;
	(v2sf) =	vpush v63, $0x9;
	s30 =	spop (v2sf);
	s8 =	sand.u32 $0x1FFFFFF0, s28  }
0x41: {  	[tilespmem:s7], [sflag:$0x1] =	stream.linear.gather [hbm4b:s9+s2], $0x80, $0x38;
	[tilespmem:$0x10400] =	vst v63  }
0x42: {  	s31 =	spop (v2sf);
	(v2sf) =	vpush v1, $0xA;
	s8 =	sadd.s32 s4, s8;
	s9 =	sand.u32 $0x1FFFFFF0, s30  }
0x43: {  	[tilespmem:s29], [sflag:$0x1] =	stream.linear.gather [hbm4b:s8+s2], $0x80, $0x38;
	[tilespmem:$0x10400] =	vst v63  }
0x44: {  	s10 =	sand.u32 $0x1FFFFFF0, s31;
	(v2sf) =	vpush v63, $0xA;
	s9 =	sadd.s32 s3, s9;
	s8 =	simm.s32 $0x700  }
0x45: {  	[tilespmem:s8], [sflag:$0x1] =	stream.linear.gather [hbm4b:s9+s2], $0x80, $0x38;
	[tilespmem:$0x10400] =	vst v63  }
0x46: {  	s26 =	simm.s32 $0x980;
	s12 =	spop (v2sf);
	s9 =	sadd.s32 s4, s10  }
0x47: {  	[tilespmem:s11], [sflag:$0x1] =	stream.linear.gather [hbm4b:s9+s2], $0x80, $0x38;
	[tilespmem:$0x10400] =	vst v63  }
0x48: {  	(v2sf) =	vpush v1, $0xB;
	s30 =	simm.s32 $0x8880;
	s8 =	sand.u32 $0x1FFFFFF0, s12;
	s14 =	spop (v2sf)  }
0x49: {  	s8 =	sadd.s32 s3, s8;
	s9 =	sand.u32 $0x1FFFFFF0, s14;
	s15 =	spop (v2sf)  }
0x4a: {  	(v2sf) =	vpush v63, $0xB;
	[tilespmem:s13], [sflag:$0x1] =	stream.linear.gather [hbm4b:s8+s2], $0x80, $0x38;
	[tilespmem:$0x10400] =	vst v63  }
0x4b: {  	s19 =	sadd.s32 s4, s9;
	s20 =	sand.u32 $0x1FFFFFF0, s15;
	s22 =	spop (v2sf)  }
0x4c: {  	[tilespmem:s16], [sflag:$0x1] =	stream.linear.gather [hbm4b:s19+s2], $0x80, $0x38;
	[tilespmem:$0x10400] =	vst v63  }
0x4d: {  	(v2sf) =	vpush v1, $0xC;
	s9 =	sadd.s32 s3, s20;
	s8 =	sand.u32 $0x1FFFFFF0, s22;
	s24 =	spop (v2sf)  }
0x4e: {  	(v2sf) =	vpush v63, $0xC;
	[tilespmem:s21], [sflag:$0x1] =	stream.linear.gather [hbm4b:s9+s2], $0x80, $0x38;
	[tilespmem:$0x10400] =	vst v63  }
0x4f: {  	s8 =	sadd.s32 s4, s8;
	s25 =	spop (v2sf);
	s9 =	sand.u32 $0x1FFFFFF0, s24  }
0x50: {  	[tilespmem:s23], [sflag:$0x1] =	stream.linear.gather [hbm4b:s8+s2], $0x80, $0x38;
	[tilespmem:$0x10400] =	vst v63  }
0x51: {  	(v2sf) =	vpush v1, $0xD;
	s29 =	sand.u32 $0x1FFFFFF0, s25;
	s31 =	spop (v2sf);
	s28 =	sadd.s32 s3, s9  }
0x52: {  	[tilespmem:s1], [sflag:$0x1] =	stream.linear.gather [hbm4b:s28+s2], $0x80, $0x38;
	[tilespmem:$0x10400] =	vst v63  }
0x53: {  	(v2sf) =	vpush v63, $0xD;
	s9 =	sadd.s32 s4, s29;
	s11 =	spop (v2sf);
	s8 =	sand.u32 $0x1FFFFFF0, s31  }
0x54: {  	[tilespmem:s30], [sflag:$0x1] =	stream.linear.gather [hbm4b:s9+s2], $0x80, $0x38;
	[tilespmem:$0x10400] =	vst v63  }
0x55: {  	s10 =	simm.s32 $0x900;
	(v2sf) =	vpush v1, $0xE;
	s8 =	sadd.s32 s3, s8;
	s9 =	sand.u32 $0x1FFFFFF0, s11  }
0x56: {  	[tilespmem:s10], [sflag:$0x1] =	stream.linear.gather [hbm4b:s8+s2], $0x80, $0x38;
	[tilespmem:$0x10400] =	vst v63  }
0x57: {  	s13 =	simm.s32 $0x8A00;
	s12 =	spop (v2sf);
	s14 =	sadd.s32 s4, s9  }
0x58: {  	[tilespmem:s0], [sflag:$0x1] =	stream.linear.gather [hbm4b:s14+s2], $0x80, $0x38;
	[tilespmem:$0x10400] =	vst v63  }
0x59: {  	s29 =	simm.s32 $0xA80;
	s15 =	sand.u32 $0x1FFFFFF0, s12;
	s16 =	spop (v2sf)  }
0x5a: {  	s23 =	simm.s32 $0x8A80;
	s19 =	sadd.s32 s3, s15;
	s0 =	sand.u32 $0x1FFFFFF0, s16  }
0x5b: {  	[tilespmem:s26], [sflag:$0x1] =	stream.linear.gather [hbm4b:s19+s2], $0x80, $0x38;
	[tilespmem:$0x10400] =	vst v63  }
0x5c: {  	s15 =	simm.s32 $0x8B00;
	s20 =	spop (v2sf);
	s0 =	sadd.s32 s4, s0  }
0x5d: {  	s19 =	simm.s32 $0x10;
	s7 =	sand.u32 $0x1FFFFFF0, s20;
	s21 =	spop (v2sf)  }
0x5e: {  	[tilespmem:s5], [sflag:$0x1] =	stream.linear.gather [hbm4b:s0+s2], $0x80, $0x38;
	[tilespmem:$0x10400] =	vst v63  }
0x5f: {  	s20 =	simm.s32 $0x210;
	s22 =	sadd.s32 s3, s7;
	s24 =	sand.u32 $0x1FFFFFF0, s21  }
0x60: {  	s25 =	spop (v2sf);
	s21 =	simm.s32 @!p0 $0x1;
	s26 =	sadd.s32 s4, s24  }
0x61: {  	[tilespmem:s6], [sflag:$0x1] =	stream.linear.gather [hbm4b:s22+s2], $0x80, $0x38;
	[tilespmem:$0x10400] =	vst v63  }
0x62: {  	s28 =	sand.u32 $0x1FFFFFF0, s25;
	s24 =	simm.s32 $0xB00;
	s31 =	spop (v2sf)  }
0x63: {  	(v2sf) =	vpush v63, $0xE;
	[tilespmem:s13], [sflag:$0x1] =	stream.linear.gather [hbm4b:s26+s2], $0x80, $0x38;
	[tilespmem:$0x10400] =	vst v63  }
0x64: {  	(v2sf) =	vpush v1, $0xF;
	s30 =	sadd.s32 s3, s28;
	s1 =	sand.u32 $0x1FFFFFF0, s31;
	s5 =	spop (v2sf)  }
0x65: {  	(v2sf) =	vpush v63, $0xF;
	[tilespmem:s29], [sflag:$0x1] =	stream.linear.gather [hbm4b:s30+s2], $0x80, $0x38;
	[tilespmem:$0x10400] =	vst v63  }
.LBB2_2:
0x66: {  	_ =	sdelay $0x7  }
0x67: {  	s1 =	sadd.s32 s4, s1;
	s5 =	sand.u32 $0x1FFFFFF0, s5  }
0x68: {  	[tilespmem:s23], [sflag:$0x1] =	stream.linear.gather [hbm4b:s1+s2], $0x80, $0x38;
	[tilespmem:$0x10400] =	vst v63  }
0x69: {  	s5 =	sadd.s32 s3, s5  }
0x6a: {  	[tilespmem:s24], [sflag:$0x1] =	stream.linear.gather [hbm4b:s5+s2], $0x80, $0x38;
	[tilespmem:$0x10400] =	vst v63  }
0x6b: {  	s6 =	spop (v2sf)  }
0x6c: {  	s7 =	sand.u32 $0x1FFFFFF0, s6;
	s8 =	spop (v2sf)  }
0x6d: {  	s9 =	sadd.s32 s4, s7;
	s10 =	sand.u32 $0x1FFFFFF0, s8;
	s11 =	spop (v2sf)  }
0x6e: {  	[tilespmem:s15], [sflag:$0x1] =	stream.linear.gather [hbm4b:s9+s2], $0x80, $0x38;
	[tilespmem:$0x10400] =	vst v63  }
0x6f: {  	s12 =	sadd.s32 $0xB80, s18;
	s5 =	sadd.s32 s3, s10;
	s6 =	sand.u32 $0x1FFFFFF0, s11  }
0x70: {  	[tilespmem:s12], [sflag:$0x1] =	stream.linear.gather [hbm4b:s5+s2], $0x80, $0x38;
	[tilespmem:$0x10400] =	vst v63  }
0x71: {  	s13 =	sadd.s32 $0x8B80, s18;
	s14 =	sadd.s32 s4, s6  }
0x72: {  	[tilespmem:s13], [sflag:$0x1] =	stream.linear.gather [hbm4b:s14+s2], $0x80, $0x38;
	[tilespmem:$0x10400] =	vst v63  }
0x73: {  	_ =	swait.ge @!p0 [sflag:s21], $0x800  }
0x74: {  	[sflag:s21] =	ssyncset.done @!p0 $0x0  }
0x75: {  	[sflag:s21] =	ssyncadd.s32 @!p0 $0xFFFFF800  }
0x76: {  	_ =	swait.ge @!p0 [sflag:s21], $0x800  }
0x77: {  	[sflag:s21] =	ssyncset.done @!p0 $0x0  }
0x78: {  	[sflag:s21] =	ssyncadd.s32 @!p0 $0xFFFFF800  }
0x79: {  	v0 =	vld [tilespmem:s19+$0x0];
	_ =	sdelay $0x1  }
0x7a: {  	v2 =	vld [tilespmem:s20+$0x0];
	_ =	sdelay $0x2  }
0x7b: {  	v1 =	vshll.u32 v0, $0x4  }
0x7c: {  	s0 =	smov.u32 s17;
	(v2sf) =	vpush v1, $0x0  }
0x7d: {  	s17 =	sadd.s32 $0x2000, s17;
	s18 =	sshra.s32 s0, $0x2;
	v63 =	vshll.u32 v2, $0x4  }
0x7e: {  	p1 =	sne.s32 s17, $0x20000;
	s28 =	sadd.s32 $0x8400, s18;
	(v2sf) =	vpush v63, $0x0  }
0x7f: {  	s30 =	sadd.s32 $0x400, s18;
	s16 =	sadd.s32 $0x8900, s18;
	s1 =	sadd.s32 $0x580, s18;
	(v2sf) =	vpush v1, $0x1  }
0x80: {  	s26 =	sadd.s32 $0x500, s18;
	s22 =	sadd.s32 $0xA00, s18;
	s15 =	sadd.s32 $0x880, s18  }
0x81: {  	s29 =	sadd.s32 $0x8480, s18;
	s23 =	sadd.s32 $0x980, s18;
	[dreg:$0xd] =	wrdreg s15;
	(v2sf) =	vpush v63, $0x1  }
0x82: {  	s25 =	sadd.s32 $0x8880, s18;
	s31 =	sadd.s32 $0x900, s18;
	[dreg:$0x9] =	wrdreg s16  }
0x83: {  	s24 =	sadd.s32 $0x8A00, s18;
	s8 =	sadd.s32 $0x780, s18;
	[dreg:$0x3] =	wrdreg s22;
	(v2sf) =	vpush v1, $0x2  }
0x84: {  	s7 =	sadd.s32 $0x8800, s18;
	s11 =	sadd.s32 $0x8680, s18;
	[dreg:$0xb] =	wrdreg s23  }
0x85: {  	s10 =	sadd.s32 $0x700, s18;
	s9 =	sadd.s32 $0x8700, s18;
	[dreg:$0x7] =	wrdreg s24;
	(v2sf) =	vpush v63, $0x2  }
0x86: {  	s6 =	sadd.s32 $0x680, s18;
	s12 =	sadd.s32 $0x8580, s18;
	[dreg:$0x13] =	wrdreg s25  }
0x87: {  	s5 =	sadd.s32 $0x800, s18;
	s13 =	sadd.s32 $0x600, s18;
	[dreg:$0x11] =	wrdreg s31;
	(v2sf) =	vpush v1, $0x3  }
0x88: {  	s16 =	sadd.s32 $0x8600, s18;
	s22 =	sadd.s32 $0x8500, s18;
	[dreg:$0x15] =	wrdreg s7  }
0x89: {  	s23 =	sadd.s32 $0x8A80, s18;
	s31 =	sadd.s32 $0x480, s18;
	s7 =	sadd.s32 $0x8780, s18;
	(v2sf) =	vpush v63, $0x3  }
0x8a: {  	s15 =	sadd.s32 $0x8B00, s18;
	s24 =	sadd.s32 $0xB00, s18;
	s21 =	sadd.s32 $0x8980, s18  }
0x8b: {  	p0 =	seq.s32 s0, $0x0;
	[dreg:$0x5] =	wrdreg s21;
	(v2sf) =	vpush v1, $0x4;
	s14 =	spop (v2sf)  }
0x8c: {  	s19 =	sadd.s32 $0x10, s19;
	s0 =	sand.u32 $0x1FFFFFF0, s14;
	s14 =	sadd.s32 $0xA80, s18  }
0x8d: {  	s20 =	sadd.s32 $0x10, s20;
	s25 =	spop (v2sf);
	(v2sf) =	vpush v63, $0x4;
	[dreg:$0xf] =	wrdreg s14  }
0x8e: {  	s0 =	sadd.s32 s3, s0;
	s25 =	sand.u32 $0x1FFFFFF0, s25;
	s14 =	spop (v2sf)  }
0x8f: {  	(v2sf) =	vpush v1, $0x5;
	[tilespmem:s30], [sflag:$0x1] =	stream.linear.gather [hbm4b:s0+s2], $0x80, $0x38;
	[tilespmem:$0x10400] =	vst v63  }
0x90: {  	s25 =	sadd.s32 s4, s25;
	s14 =	sand.u32 $0x1FFFFFF0, s14;
	s30 =	spop (v2sf);
	(v2sf) =	vpush v63, $0x5  }
0x91: {  	[tilespmem:s28], [sflag:$0x1] =	stream.linear.gather [hbm4b:s25+s2], $0x80, $0x38;
	[tilespmem:$0x10400] =	vst v63  }
0x92: {  	s14 =	sadd.s32 s3, s14;
	s28 =	sand.u32 $0x1FFFFFF0, s30;
	s30 =	spop (v2sf);
	(v2sf) =	vpush v1, $0x6  }
0x93: {  	[tilespmem:s31], [sflag:$0x1] =	stream.linear.gather [hbm4b:s14+s2], $0x80, $0x38;
	[tilespmem:$0x10400] =	vst v63  }
0x94: {  	s25 =	sand.u32 $0x1FFFFFF0, s30;
	s14 =	sadd.s32 s4, s28;
	s28 =	spop (v2sf);
	(v2sf) =	vpush v63, $0x6  }
0x95: {  	[tilespmem:s29], [sflag:$0x1] =	stream.linear.gather [hbm4b:s14+s2], $0x80, $0x38;
	[tilespmem:$0x10400] =	vst v63  }
0x96: {  	s30 =	sand.u32 $0x1FFFFFF0, s28;
	s31 =	spop (v2sf);
	(v2sf) =	vpush v1, $0x7;
	s29 =	sadd.s32 s3, s25  }
0x97: {  	[tilespmem:s26], [sflag:$0x1] =	stream.linear.gather [hbm4b:s29+s2], $0x80, $0x38;
	[tilespmem:$0x10400] =	vst v63  }
0x98: {  	s14 =	sadd.s32 s4, s30;
	s28 =	spop (v2sf);
	(v2sf) =	vpush v63, $0x7;
	s26 =	sand.u32 $0x1FFFFFF0, s31  }
0x99: {  	[tilespmem:s22], [sflag:$0x1] =	stream.linear.gather [hbm4b:s14+s2], $0x80, $0x38;
	[tilespmem:$0x10400] =	vst v63  }
0x9a: {  	s30 =	sand.u32 $0x1FFFFFF0, s28;
	s31 =	spop (v2sf);
	(v2sf) =	vpush v1, $0x8;
	s29 =	sadd.s32 s3, s26  }
0x9b: {  	[tilespmem:s1], [sflag:$0x1] =	stream.linear.gather [hbm4b:s29+s2], $0x80, $0x38;
	[tilespmem:$0x10400] =	vst v63  }
0x9c: {  	s21 =	simm.s32 @!p0 $0x1;
	s1 =	sadd.s32 s4, s30;
	s22 =	spop (v2sf)  }
0x9d: {  	[tilespmem:s12], [sflag:$0x1] =	stream.linear.gather [hbm4b:s1+s2], $0x80, $0x38;
	[tilespmem:$0x10400] =	vst v63  }
0x9e: {  	s14 =	sand.u32 $0x1FFFFFF0, s31;
	(v2sf) =	vpush v63, $0x8;
	s26 =	sand.u32 $0x1FFFFFF0, s22;
	s28 =	spop (v2sf)  }
0x9f: {  	s25 =	sadd.s32 s3, s14;
	(v2sf) =	vpush v1, $0x9;
	s29 =	sadd.s32 s4, s26;
	s31 =	spop (v2sf)  }
0xa0: {  	[tilespmem:s13], [sflag:$0x1] =	stream.linear.gather [hbm4b:s25+s2], $0x80, $0x38;
	[tilespmem:$0x10400] =	vst v63  }
0xa1: {  	s30 =	sand.u32 $0x1FFFFFF0, s28;
	(v2sf) =	vpush v63, $0x9;
	s12 =	sand.u32 $0x1FFFFFF0, s31;
	s13 =	spop (v2sf)  }
0xa2: {  	[tilespmem:s16], [sflag:$0x1] =	stream.linear.gather [hbm4b:s29+s2], $0x80, $0x38;
	[tilespmem:$0x10400] =	vst v63  }
0xa3: {  	s1 =	sadd.s32 s3, s30;
	s14 =	sadd.s32 s4, s12;
	s22 =	spop (v2sf)  }
0xa4: {  	(v2sf) =	vpush v1, $0xA;
	[tilespmem:s6], [sflag:$0x1] =	stream.linear.gather [hbm4b:s1+s2], $0x80, $0x38;
	[tilespmem:$0x10400] =	vst v63  }
0xa5: {  	s16 =	sand.u32 $0x1FFFFFF0, s13;
	s26 =	sand.u32 $0x1FFFFFF0, s22;
	s28 =	spop (v2sf)  }
0xa6: {  	(v2sf) =	vpush v63, $0xA;
	[tilespmem:s11], [sflag:$0x1] =	stream.linear.gather [hbm4b:s14+s2], $0x80, $0x38;
	[tilespmem:$0x10400] =	vst v63  }
0xa7: {  	s25 =	sadd.s32 s3, s16;
	s29 =	sadd.s32 s4, s26;
	s31 =	spop (v2sf)  }
0xa8: {  	[tilespmem:s10], [sflag:$0x1] =	stream.linear.gather [hbm4b:s25+s2], $0x80, $0x38;
	[tilespmem:$0x10400] =	vst v63  }
0xa9: {  	s30 =	sand.u32 $0x1FFFFFF0, s28;
	s11 =	sand.u32 $0x1FFFFFF0, s31;
	s12 =	spop (v2sf)  }
0xaa: {  	(v2sf) =	vpush v1, $0xB;
	[tilespmem:s9], [sflag:$0x1] =	stream.linear.gather [hbm4b:s29+s2], $0x80, $0x38;
	[tilespmem:$0x10400] =	vst v63  }
0xab: {  	s31 =	rddreg [dreg:$0x15];
	s10 =	sadd.s32 s3, s30;
	s14 =	sand.u32 $0x1FFFFFF0, s12  }
0xac: {  	(v2sf) =	vpush v63, $0xB;
	[tilespmem:s8], [sflag:$0x1] =	stream.linear.gather [hbm4b:s10+s2], $0x80, $0x38;
	[tilespmem:$0x10400] =	vst v63  }
0xad: {  	s13 =	sadd.s32 s4, s11;
	s22 =	sadd.s32 s3, s14;
	s16 =	spop (v2sf)  }
0xae: {  	(v2sf) =	vpush v1, $0xC;
	s14 =	rddreg [dreg:$0x13];
	s25 =	sand.u32 $0x1FFFFFF0, s16;
	s26 =	spop (v2sf)  }
0xaf: {  	[tilespmem:s7], [sflag:$0x1] =	stream.linear.gather [hbm4b:s13+s2], $0x80, $0x38;
	[tilespmem:$0x10400] =	vst v63  }
0xb0: {  	s10 =	rddreg [dreg:$0xd];
	s28 =	sadd.s32 s4, s25;
	s30 =	spop (v2sf)  }
0xb1: {  	s29 =	sand.u32 $0x1FFFFFF0, s26;
	s26 =	rddreg [dreg:$0x11];
	s8 =	sand.u32 $0x1FFFFFF0, s30  }
0xb2: {  	(v2sf) =	vpush v63, $0xC;
	[tilespmem:s5], [sflag:$0x1] =	stream.linear.gather [hbm4b:s22+s2], $0x80, $0x38;
	[tilespmem:$0x10400] =	vst v63  }
0xb3: {  	s7 =	sadd.s32 s3, s29;
	s9 =	spop (v2sf);
	s11 =	sadd.s32 s4, s8  }
0xb4: {  	(v2sf) =	vpush v1, $0xD;
	[tilespmem:s31], [sflag:$0x1] =	stream.linear.gather [hbm4b:s28+s2], $0x80, $0x38;
	[tilespmem:$0x10400] =	vst v63  }
0xb5: {  	(v2sf) =	vpush v63, $0xD;
	s8 =	rddreg [dreg:$0xb];
	s12 =	sand.u32 $0x1FFFFFF0, s9;
	s13 =	spop (v2sf)  }
0xb6: {  	[tilespmem:s10], [sflag:$0x1] =	stream.linear.gather [hbm4b:s7+s2], $0x80, $0x38;
	[tilespmem:$0x10400] =	vst v63  }
0xb7: {  	(v2sf) =	vpush v1, $0xE;
	s16 =	sadd.s32 s3, s12;
	s31 =	rddreg [dreg:$0x9];
	s22 =	sand.u32 $0x1FFFFFF0, s13  }
0xb8: {  	[tilespmem:s14], [sflag:$0x1] =	stream.linear.gather [hbm4b:s11+s2], $0x80, $0x38;
	[tilespmem:$0x10400] =	vst v63  }
0xb9: {  	s12 =	rddreg [dreg:$0x5];
	s25 =	spop (v2sf);
	s28 =	sadd.s32 s4, s22  }
0xba: {  	[tilespmem:s26], [sflag:$0x1] =	stream.linear.gather [hbm4b:s16+s2], $0x80, $0x38;
	[tilespmem:$0x10400] =	vst v63  }
0xbb: {  	s29 =	sand.u32 $0x1FFFFFF0, s25;
	s30 =	spop (v2sf);
	s22 =	rddreg [dreg:$0x3]  }
0xbc: {  	[tilespmem:s31], [sflag:$0x1] =	stream.linear.gather [hbm4b:s28+s2], $0x80, $0x38;
	[tilespmem:$0x10400] =	vst v63  }
0xbd: {  	s1 =	sadd.s32 s3, s29;
	s5 =	sand.u32 $0x1FFFFFF0, s30;
	s7 =	spop (v2sf)  }
0xbe: {  	[tilespmem:s8], [sflag:$0x1] =	stream.linear.gather [hbm4b:s1+s2], $0x80, $0x38;
	[tilespmem:$0x10400] =	vst v63  }
0xbf: {  	s29 =	rddreg [dreg:$0x7];
	s9 =	sadd.s32 s4, s5;
	s10 =	sand.u32 $0x1FFFFFF0, s7  }
0xc0: {  	[tilespmem:s12], [sflag:$0x1] =	stream.linear.gather [hbm4b:s9+s2], $0x80, $0x38;
	[tilespmem:$0x10400] =	vst v63  }
0xc1: {  	s13 =	sadd.s32 s3, s10;
	s31 =	rddreg [dreg:$0xf];
	s11 =	spop (v2sf)  }
0xc2: {  	[tilespmem:s22], [sflag:$0x1] =	stream.linear.gather [hbm4b:s13+s2], $0x80, $0x38;
	[tilespmem:$0x10400] =	vst v63  }
.Ltmp0:
0xc3: {  	s14 =	sand.u32 $0x1FFFFFF0, s11;
	s16 =	spop (v2sf);
	(pc) =	sbr.rel @p1 .LBB2_2-.Ltmp0, $4  }
0xc4: {  	s25 =	sadd.s32 s4, s14;
	s26 =	sand.u32 $0x1FFFFFF0, s16;
	s28 =	spop (v2sf)  }
0xc5: {  	(v2sf) =	vpush v63, $0xE;
	[tilespmem:s29], [sflag:$0x1] =	stream.linear.gather [hbm4b:s25+s2], $0x80, $0x38;
	[tilespmem:$0x10400] =	vst v63  }
0xc6: {  	(v2sf) =	vpush v1, $0xF;
	s30 =	sadd.s32 s3, s26;
	s1 =	sand.u32 $0x1FFFFFF0, s28;
	s5 =	spop (v2sf)  }
0xc7: {  	(v2sf) =	vpush v63, $0xF;
	[tilespmem:s31], [sflag:$0x1] =	stream.linear.gather [hbm4b:s30+s2], $0x80, $0x38;
	[tilespmem:$0x10400] =	vst v63  }
0xc8: {  	_ =	sdelay $0x7  }
0xc9: {  	s0 =	sadd.s32 s4, s1;
	s6 =	sand.u32 $0x1FFFFFF0, s5  }
0xca: {  	[tilespmem:s23], [sflag:$0x1] =	stream.linear.gather [hbm4b:s0+s2], $0x80, $0x38;
	[tilespmem:$0x10400] =	vst v63  }
0xcb: {  	s8 =	sadd.s32 s3, s6  }
0xcc: {  	[tilespmem:s24], [sflag:$0x1] =	stream.linear.gather [hbm4b:s8+s2], $0x80, $0x38;
	[tilespmem:$0x10400] =	vst v63  }
0xcd: {  	s7 =	spop (v2sf)  }
0xce: {  	s9 =	sand.u32 $0x1FFFFFF0, s7;
	s10 =	spop (v2sf)  }
0xcf: {  	s11 =	sadd.s32 s4, s9;
	s12 =	sand.u32 $0x1FFFFFF0, s10;
	s13 =	spop (v2sf)  }
0xd0: {  	[tilespmem:s15], [sflag:$0x1] =	stream.linear.gather [hbm4b:s11+s2], $0x80, $0x38;
	[tilespmem:$0x10400] =	vst v63  }
0xd1: {  	s14 =	sadd.s32 $0xB80, s18;
	s1 =	sadd.s32 s3, s12;
	s5 =	sand.u32 $0x1FFFFFF0, s13  }
0xd2: {  	[tilespmem:s14], [sflag:$0x1] =	stream.linear.gather [hbm4b:s1+s2], $0x80, $0x38;
	[tilespmem:$0x10400] =	vst v63  }
0xd3: {  	s15 =	sadd.s32 $0x8B80, s18;
	s16 =	sadd.s32 s4, s5  }
0xd4: {  	[tilespmem:s15], [sflag:$0x1] =	stream.linear.gather [hbm4b:s16+s2], $0x80, $0x38;
	[tilespmem:$0x10400] =	vst v63  }
0xd5: {  	_ =	swait.ge @!p0 [sflag:s21], $0x800  }
0xd6: {  	[sflag:s21] =	ssyncset.done @!p0 $0x0  }
0xd7: {  	[sflag:s21] =	ssyncadd.s32 @!p0 $0xFFFFF800  }
0xd8: {  	_ =	swait.ge @!p0 [sflag:s21], $0x800  }
0xd9: {  	[sflag:s21] =	ssyncset.done @!p0 $0x0  }
0xda: {  	s17 =	simm.s32 $0x1;
	[sflag:s21] =	ssyncadd.s32 @!p0 $0xFFFFF800  }
0xdb: {  	_ =	swait.ge [sflag:s17], $0x800  }
0xdc: {  	[sflag:s17] =	ssyncset.done $0x0  }
0xdd: {  	[sflag:s17] =	ssyncadd.s32 $0xFFFFF800  }
0xde: {  	_ =	swait.ge [sflag:s17], $0x800  }
0xdf: {  	s20 =	simm.s32 $0x400;
	s18 =	simm.s32 $0x0;
	[sflag:s17] =	ssyncset.done $0x0  }
0xe0: {  	s21 =	simm.s32 $0x2;
	s19 =	rddreg [dreg:$0x19];
	[sflag:s17] =	ssyncadd.s32 $0xFFFFF800  }
0xe1: {  	[hbm4b:s19+s18] =	stream.linear.scatter [tilespmem:s20], [sflag:$0x2], $0x8000, $0x38;
	[tilespmem:$0x10400] =	vst v63  }
0xe2: {  	_ =	swait.ge [sflag:s21], $0x8000  }
0xe3: {  	[sflag:s21] =	ssyncset.done $0x0  }
0xe4: {  	s6 =	simm.s32 $0x8400;
	s22 =	rddreg [dreg:$0x1a];
	[sflag:s21] =	ssyncadd.s32 $0xFFFF8000  }
0xe5: {  	[hbm4b:s22+s18] =	stream.linear.scatter [tilespmem:s6], [sflag:$0x2], $0x8000, $0x38;
	[tilespmem:$0x10400] =	vst v63  }
0xe6: {  	_ =	swait.ge [sflag:s21], $0x8000  }
0xe7: {  	[sflag:s21] =	ssyncset.done $0x0  }
0xe8: {  	s23 =	simm.s32 $0x100;
	[sflag:s21] =	ssyncadd.s32 $0xFFFF8000  }
0xe9: {  	v0 =	vld [tilespmem:s23+$0x0]  }
0xea: {  	s24 =	simm.s32 $0x300  }
0xeb: {  	v2 =	vld [tilespmem:s24+$0x0];
	_ =	sdelay $0x2  }
0xec: {  	v1 =	vshll.u32 v0, $0x4  }
0xed: {  	(v2sf) =	vpush v1, $0x0  }
0xee: {  	v63 =	vshll.u32 v2, $0x4  }
0xef: {  	(v2sf) =	vpush v63, $0x0;
	_ =	sdelay $0x1  }
0xf0: {  	(v2sf) =	vpush v1, $0x1  }
0xf1: {  	(v2sf) =	vpush v63, $0x1  }
0xf2: {  	(v2sf) =	vpush v1, $0x2;
	_ =	sdelay $0x1  }
0xf3: {  	(v2sf) =	vpush v63, $0x2;
	_ =	sdelay $0x3  }
0xf4: {  	s25 =	simm.s32 $0x8400;
	s28 =	simm.s32 $0x400;
	s30 =	simm.s32 $0x480;
	(v2sf) =	vpush v1, $0x3  }
0xf5: {  	s7 =	simm.s32 $0x680;
	s9 =	simm.s32 $0x600;
	s11 =	simm.s32 $0x500  }
0xf6: {  	s13 =	simm.s32 $0x8500;
	s5 =	simm.s32 $0x8980;
	s1 =	simm.s32 $0x880;
	(v2sf) =	vpush v63, $0x3  }
0xf7: {  	s16 =	simm.s32 $0x580;
	p0 =	por $0x1, $0x1;
	s26 =	spop (v2sf)  }
0xf8: {  	s17 =	simm.s32 $0x2000;
	s18 =	simm.s32 $0x0;
	s0 =	sand.u32 $0x1FFFFFF0, s26  }
0xf9: {  	s21 =	simm.s32 $0x8580;
	s8 =	spop (v2sf);
	s0 =	sadd.s32 s3, s0  }
0xfa: {  	(v2sf) =	vpush v1, $0x4;
	[tilespmem:s28], [sflag:$0x1] =	stream.linear.gather [hbm4b:s0+s2], $0x80, $0x38;
	[tilespmem:$0x10400] =	vst v63  }
0xfb: {  	(v2sf) =	vpush v63, $0x4;
	s8 =	sand.u32 $0x1FFFFFF0, s8;
	s29 =	spop (v2sf);
	s0 =	simm.s32 $0x8900  }
0xfc: {  	s8 =	sadd.s32 s4, s8;
	s6 =	sand.u32 $0x1FFFFFF0, s29;
	s31 =	spop (v2sf)  }
0xfd: {  	(v2sf) =	vpush v1, $0x5;
	s29 =	simm.s32 $0x8680;
	s6 =	sadd.s32 s3, s6;
	s10 =	spop (v2sf)  }
0xfe: {  	[tilespmem:s25], [sflag:$0x1] =	stream.linear.gather [hbm4b:s8+s2], $0x80, $0x38;
	[tilespmem:$0x10400] =	vst v63  }
0xff: {  	s8 =	sand.u32 $0x1FFFFFF0, s31;
	s10 =	sand.u32 $0x1FFFFFF0, s10;
	s12 =	spop (v2sf)  }
0x100: {  	(v2sf) =	vpush v63, $0x5;
	[tilespmem:s30], [sflag:$0x1] =	stream.linear.gather [hbm4b:s6+s2], $0x80, $0x38;
	[tilespmem:$0x10400] =	vst v63  }
0x101: {  	s25 =	simm.s32 $0x8600;
	s8 =	sadd.s32 s4, s8;
	s6 =	simm.s32 $0x8480  }
0x102: {  	(v2sf) =	vpush v1, $0x6;
	[tilespmem:s6], [sflag:$0x1] =	stream.linear.gather [hbm4b:s8+s2], $0x80, $0x38;
	[tilespmem:$0x10400] =	vst v63  }
0x103: {  	s14 =	spop (v2sf);
	s8 =	sadd.s32 s3, s10;
	s6 =	sand.u32 $0x1FFFFFF0, s12  }
0x104: {  	(v2sf) =	vpush v63, $0x6;
	[tilespmem:s11], [sflag:$0x1] =	stream.linear.gather [hbm4b:s8+s2], $0x80, $0x38;
	[tilespmem:$0x10400] =	vst v63  }
0x105: {  	s15 =	spop (v2sf);
	s6 =	sadd.s32 s4, s6;
	s8 =	sand.u32 $0x1FFFFFF0, s14  }
0x106: {  	[tilespmem:s13], [sflag:$0x1] =	stream.linear.gather [hbm4b:s6+s2], $0x80, $0x38;
	[tilespmem:$0x10400] =	vst v63  }
0x107: {  	s20 =	sand.u32 $0x1FFFFFF0, s15;
	s11 =	simm.s32 $0x8700;
	s19 =	sadd.s32 s3, s8  }
0x108: {  	(v2sf) =	vpush v1, $0x7;
	[tilespmem:s16], [sflag:$0x1] =	stream.linear.gather [hbm4b:s19+s2], $0x80, $0x38;
	[tilespmem:$0x10400] =	vst v63  }
0x109: {  	s8 =	sadd.s32 s4, s20;
	s13 =	simm.s32 $0x780;
	s22 =	spop (v2sf)  }
0x10a: {  	(v2sf) =	vpush v63, $0x7;
	s16 =	simm.s32 $0x8780;
	s6 =	sand.u32 $0x1FFFFFF0, s22;
	s23 =	spop (v2sf)  }
0x10b: {  	(v2sf) =	vpush v1, $0x8;
	[tilespmem:s21], [sflag:$0x1] =	stream.linear.gather [hbm4b:s8+s2], $0x80, $0x38;
	[tilespmem:$0x10400] =	vst v63  }
0x10c: {  	s6 =	sadd.s32 s3, s6;
	s8 =	sand.u32 $0x1FFFFFF0, s23;
	s24 =	spop (v2sf)  }
0x10d: {  	(v2sf) =	vpush v63, $0x8;
	s21 =	simm.s32 $0x800;
	s23 =	simm.s32 $0x8800;
	s8 =	sadd.s32 s4, s8  }
0x10e: {  	[tilespmem:s9], [sflag:$0x1] =	stream.linear.gather [hbm4b:s6+s2], $0x80, $0x38;
	[tilespmem:$0x10400] =	vst v63  }
0x10f: {  	s26 =	sand.u32 $0x1FFFFFF0, s24;
	s28 =	spop (v2sf);
	(v2sf) =	vpush v1, $0x9;
	s6 =	simm.s32 $0xA00  }
0x110: {  	[tilespmem:s25], [sflag:$0x1] =	stream.linear.gather [hbm4b:s8+s2], $0x80, $0x38;
	[tilespmem:$0x10400] =	vst v63  }
0x111: {  	s9 =	sadd.s32 s3, s26;
	(v2sf) =	vpush v63, $0x9;
	s30 =	spop (v2sf);
	s8 =	sand.u32 $0x1FFFFFF0, s28  }
0x112: {  	[tilespmem:s7], [sflag:$0x1] =	stream.linear.gather [hbm4b:s9+s2], $0x80, $0x38;
	[tilespmem:$0x10400] =	vst v63  }
0x113: {  	s31 =	spop (v2sf);
	(v2sf) =	vpush v1, $0xA;
	s8 =	sadd.s32 s4, s8;
	s9 =	sand.u32 $0x1FFFFFF0, s30  }
0x114: {  	[tilespmem:s29], [sflag:$0x1] =	stream.linear.gather [hbm4b:s8+s2], $0x80, $0x38;
	[tilespmem:$0x10400] =	vst v63  }
0x115: {  	s10 =	sand.u32 $0x1FFFFFF0, s31;
	(v2sf) =	vpush v63, $0xA;
	s9 =	sadd.s32 s3, s9;
	s8 =	simm.s32 $0x700  }
0x116: {  	[tilespmem:s8], [sflag:$0x1] =	stream.linear.gather [hbm4b:s9+s2], $0x80, $0x38;
	[tilespmem:$0x10400] =	vst v63  }
0x117: {  	s26 =	simm.s32 $0x980;
	s12 =	spop (v2sf);
	s9 =	sadd.s32 s4, s10  }
0x118: {  	[tilespmem:s11], [sflag:$0x1] =	stream.linear.gather [hbm4b:s9+s2], $0x80, $0x38;
	[tilespmem:$0x10400] =	vst v63  }
0x119: {  	(v2sf) =	vpush v1, $0xB;
	s30 =	simm.s32 $0x8880;
	s8 =	sand.u32 $0x1FFFFFF0, s12;
	s14 =	spop (v2sf)  }
0x11a: {  	s8 =	sadd.s32 s3, s8;
	s9 =	sand.u32 $0x1FFFFFF0, s14;
	s15 =	spop (v2sf)  }
0x11b: {  	(v2sf) =	vpush v63, $0xB;
	[tilespmem:s13], [sflag:$0x1] =	stream.linear.gather [hbm4b:s8+s2], $0x80, $0x38;
	[tilespmem:$0x10400] =	vst v63  }
0x11c: {  	s19 =	sadd.s32 s4, s9;
	s20 =	sand.u32 $0x1FFFFFF0, s15;
	s22 =	spop (v2sf)  }
0x11d: {  	[tilespmem:s16], [sflag:$0x1] =	stream.linear.gather [hbm4b:s19+s2], $0x80, $0x38;
	[tilespmem:$0x10400] =	vst v63  }
0x11e: {  	(v2sf) =	vpush v1, $0xC;
	s9 =	sadd.s32 s3, s20;
	s8 =	sand.u32 $0x1FFFFFF0, s22;
	s24 =	spop (v2sf)  }
0x11f: {  	(v2sf) =	vpush v63, $0xC;
	[tilespmem:s21], [sflag:$0x1] =	stream.linear.gather [hbm4b:s9+s2], $0x80, $0x38;
	[tilespmem:$0x10400] =	vst v63  }
0x120: {  	s8 =	sadd.s32 s4, s8;
	s25 =	spop (v2sf);
	s9 =	sand.u32 $0x1FFFFFF0, s24  }
0x121: {  	[tilespmem:s23], [sflag:$0x1] =	stream.linear.gather [hbm4b:s8+s2], $0x80, $0x38;
	[tilespmem:$0x10400] =	vst v63  }
0x122: {  	(v2sf) =	vpush v1, $0xD;
	s29 =	sand.u32 $0x1FFFFFF0, s25;
	s31 =	spop (v2sf);
	s28 =	sadd.s32 s3, s9  }
0x123: {  	[tilespmem:s1], [sflag:$0x1] =	stream.linear.gather [hbm4b:s28+s2], $0x80, $0x38;
	[tilespmem:$0x10400] =	vst v63  }
0x124: {  	(v2sf) =	vpush v63, $0xD;
	s9 =	sadd.s32 s4, s29;
	s11 =	spop (v2sf);
	s8 =	sand.u32 $0x1FFFFFF0, s31  }
0x125: {  	[tilespmem:s30], [sflag:$0x1] =	stream.linear.gather [hbm4b:s9+s2], $0x80, $0x38;
	[tilespmem:$0x10400] =	vst v63  }
0x126: {  	s10 =	simm.s32 $0x900;
	(v2sf) =	vpush v1, $0xE;
	s8 =	sadd.s32 s3, s8;
	s9 =	sand.u32 $0x1FFFFFF0, s11  }
0x127: {  	[tilespmem:s10], [sflag:$0x1] =	stream.linear.gather [hbm4b:s8+s2], $0x80, $0x38;
	[tilespmem:$0x10400] =	vst v63  }
0x128: {  	s13 =	simm.s32 $0x8A00;
	s12 =	spop (v2sf);
	s14 =	sadd.s32 s4, s9  }
0x129: {  	[tilespmem:s0], [sflag:$0x1] =	stream.linear.gather [hbm4b:s14+s2], $0x80, $0x38;
	[tilespmem:$0x10400] =	vst v63  }
0x12a: {  	s29 =	simm.s32 $0xA80;
	s15 =	sand.u32 $0x1FFFFFF0, s12;
	s16 =	spop (v2sf)  }
0x12b: {  	s23 =	simm.s32 $0x8A80;
	s19 =	sadd.s32 s3, s15;
	s0 =	sand.u32 $0x1FFFFFF0, s16  }
0x12c: {  	[tilespmem:s26], [sflag:$0x1] =	stream.linear.gather [hbm4b:s19+s2], $0x80, $0x38;
	[tilespmem:$0x10400] =	vst v63  }
0x12d: {  	s15 =	simm.s32 $0x8B00;
	s20 =	spop (v2sf);
	s0 =	sadd.s32 s4, s0  }
0x12e: {  	s19 =	simm.s32 $0x110;
	s7 =	sand.u32 $0x1FFFFFF0, s20;
	s21 =	spop (v2sf)  }
0x12f: {  	[tilespmem:s5], [sflag:$0x1] =	stream.linear.gather [hbm4b:s0+s2], $0x80, $0x38;
	[tilespmem:$0x10400] =	vst v63  }
0x130: {  	s20 =	simm.s32 $0x310;
	s22 =	sadd.s32 s3, s7;
	s24 =	sand.u32 $0x1FFFFFF0, s21  }
0x131: {  	s25 =	spop (v2sf);
	s21 =	simm.s32 @!p0 $0x1;
	s26 =	sadd.s32 s4, s24  }
0x132: {  	[tilespmem:s6], [sflag:$0x1] =	stream.linear.gather [hbm4b:s22+s2], $0x80, $0x38;
	[tilespmem:$0x10400] =	vst v63  }
0x133: {  	s28 =	sand.u32 $0x1FFFFFF0, s25;
	s24 =	simm.s32 $0xB00;
	s31 =	spop (v2sf)  }
0x134: {  	(v2sf) =	vpush v63, $0xE;
	[tilespmem:s13], [sflag:$0x1] =	stream.linear.gather [hbm4b:s26+s2], $0x80, $0x38;
	[tilespmem:$0x10400] =	vst v63  }
0x135: {  	(v2sf) =	vpush v1, $0xF;
	s30 =	sadd.s32 s3, s28;
	s1 =	sand.u32 $0x1FFFFFF0, s31;
	s5 =	spop (v2sf)  }
0x136: {  	(v2sf) =	vpush v63, $0xF;
	[tilespmem:s29], [sflag:$0x1] =	stream.linear.gather [hbm4b:s30+s2], $0x80, $0x38;
	[tilespmem:$0x10400] =	vst v63  }
.LBB2_4:
0x137: {  	_ =	sdelay $0x7  }
0x138: {  	s1 =	sadd.s32 s4, s1;
	s5 =	sand.u32 $0x1FFFFFF0, s5  }
0x139: {  	[tilespmem:s23], [sflag:$0x1] =	stream.linear.gather [hbm4b:s1+s2], $0x80, $0x38;
	[tilespmem:$0x10400] =	vst v63  }
0x13a: {  	s5 =	sadd.s32 s3, s5  }
0x13b: {  	[tilespmem:s24], [sflag:$0x1] =	stream.linear.gather [hbm4b:s5+s2], $0x80, $0x38;
	[tilespmem:$0x10400] =	vst v63  }
0x13c: {  	s6 =	spop (v2sf)  }
0x13d: {  	s7 =	sand.u32 $0x1FFFFFF0, s6;
	s8 =	spop (v2sf)  }
0x13e: {  	s9 =	sadd.s32 s4, s7;
	s10 =	sand.u32 $0x1FFFFFF0, s8;
	s11 =	spop (v2sf)  }
0x13f: {  	[tilespmem:s15], [sflag:$0x1] =	stream.linear.gather [hbm4b:s9+s2], $0x80, $0x38;
	[tilespmem:$0x10400] =	vst v63  }
0x140: {  	s12 =	sadd.s32 $0xB80, s18;
	s5 =	sadd.s32 s3, s10;
	s6 =	sand.u32 $0x1FFFFFF0, s11  }
0x141: {  	[tilespmem:s12], [sflag:$0x1] =	stream.linear.gather [hbm4b:s5+s2], $0x80, $0x38;
	[tilespmem:$0x10400] =	vst v63  }
0x142: {  	s13 =	sadd.s32 $0x8B80, s18;
	s14 =	sadd.s32 s4, s6  }
0x143: {  	[tilespmem:s13], [sflag:$0x1] =	stream.linear.gather [hbm4b:s14+s2], $0x80, $0x38;
	[tilespmem:$0x10400] =	vst v63  }
0x144: {  	_ =	swait.ge @!p0 [sflag:s21], $0x800  }
0x145: {  	[sflag:s21] =	ssyncset.done @!p0 $0x0  }
0x146: {  	[sflag:s21] =	ssyncadd.s32 @!p0 $0xFFFFF800  }
0x147: {  	_ =	swait.ge @!p0 [sflag:s21], $0x800  }
0x148: {  	[sflag:s21] =	ssyncset.done @!p0 $0x0  }
0x149: {  	[sflag:s21] =	ssyncadd.s32 @!p0 $0xFFFFF800  }
0x14a: {  	v0 =	vld [tilespmem:s19+$0x0];
	_ =	sdelay $0x1  }
0x14b: {  	v2 =	vld [tilespmem:s20+$0x0];
	_ =	sdelay $0x2  }
0x14c: {  	v1 =	vshll.u32 v0, $0x4  }
0x14d: {  	s0 =	smov.u32 s17;
	(v2sf) =	vpush v1, $0x0  }
0x14e: {  	s17 =	sadd.s32 $0x2000, s17;
	s18 =	sshra.s32 s0, $0x2;
	v63 =	vshll.u32 v2, $0x4  }
0x14f: {  	p1 =	sne.s32 s17, $0x20000;
	s28 =	sadd.s32 $0x8400, s18;
	(v2sf) =	vpush v63, $0x0  }
0x150: {  	s30 =	sadd.s32 $0x400, s18;
	s16 =	sadd.s32 $0x8900, s18;
	s1 =	sadd.s32 $0x580, s18;
	(v2sf) =	vpush v1, $0x1  }
0x151: {  	s26 =	sadd.s32 $0x500, s18;
	s22 =	sadd.s32 $0xA00, s18;
	s15 =	sadd.s32 $0x880, s18  }
0x152: {  	s29 =	sadd.s32 $0x8480, s18;
	s23 =	sadd.s32 $0x980, s18;
	[dreg:$0xe] =	wrdreg s15;
	(v2sf) =	vpush v63, $0x1  }
0x153: {  	s25 =	sadd.s32 $0x8880, s18;
	s31 =	sadd.s32 $0x900, s18;
	[dreg:$0xa] =	wrdreg s16  }
0x154: {  	s24 =	sadd.s32 $0x8A00, s18;
	s8 =	sadd.s32 $0x780, s18;
	[dreg:$0x4] =	wrdreg s22;
	(v2sf) =	vpush v1, $0x2  }
0x155: {  	s7 =	sadd.s32 $0x8800, s18;
	s11 =	sadd.s32 $0x8680, s18;
	[dreg:$0xc] =	wrdreg s23  }
0x156: {  	s10 =	sadd.s32 $0x700, s18;
	s9 =	sadd.s32 $0x8700, s18;
	[dreg:$0x8] =	wrdreg s24;
	(v2sf) =	vpush v63, $0x2  }
0x157: {  	s6 =	sadd.s32 $0x680, s18;
	s12 =	sadd.s32 $0x8580, s18;
	[dreg:$0x14] =	wrdreg s25  }
0x158: {  	s5 =	sadd.s32 $0x800, s18;
	s13 =	sadd.s32 $0x600, s18;
	[dreg:$0x12] =	wrdreg s31;
	(v2sf) =	vpush v1, $0x3  }
0x159: {  	s16 =	sadd.s32 $0x8600, s18;
	s22 =	sadd.s32 $0x8500, s18;
	[dreg:$0x16] =	wrdreg s7  }
0x15a: {  	s23 =	sadd.s32 $0x8A80, s18;
	s31 =	sadd.s32 $0x480, s18;
	s7 =	sadd.s32 $0x8780, s18;
	(v2sf) =	vpush v63, $0x3  }
0x15b: {  	s15 =	sadd.s32 $0x8B00, s18;
	s24 =	sadd.s32 $0xB00, s18;
	s21 =	sadd.s32 $0x8980, s18  }
0x15c: {  	p0 =	seq.s32 s0, $0x0;
	[dreg:$0x6] =	wrdreg s21;
	(v2sf) =	vpush v1, $0x4;
	s14 =	spop (v2sf)  }
0x15d: {  	s19 =	sadd.s32 $0x10, s19;
	s0 =	sand.u32 $0x1FFFFFF0, s14;
	s14 =	sadd.s32 $0xA80, s18  }
0x15e: {  	s20 =	sadd.s32 $0x10, s20;
	s25 =	spop (v2sf);
	(v2sf) =	vpush v63, $0x4;
	[dreg:$0x10] =	wrdreg s14  }
0x15f: {  	s0 =	sadd.s32 s3, s0;
	s25 =	sand.u32 $0x1FFFFFF0, s25;
	s14 =	spop (v2sf)  }
0x160: {  	(v2sf) =	vpush v1, $0x5;
	[tilespmem:s30], [sflag:$0x1] =	stream.linear.gather [hbm4b:s0+s2], $0x80, $0x38;
	[tilespmem:$0x10400] =	vst v63  }
0x161: {  	s25 =	sadd.s32 s4, s25;
	s14 =	sand.u32 $0x1FFFFFF0, s14;
	s30 =	spop (v2sf);
	(v2sf) =	vpush v63, $0x5  }
0x162: {  	[tilespmem:s28], [sflag:$0x1] =	stream.linear.gather [hbm4b:s25+s2], $0x80, $0x38;
	[tilespmem:$0x10400] =	vst v63  }
0x163: {  	s14 =	sadd.s32 s3, s14;
	s28 =	sand.u32 $0x1FFFFFF0, s30;
	s30 =	spop (v2sf);
	(v2sf) =	vpush v1, $0x6  }
0x164: {  	[tilespmem:s31], [sflag:$0x1] =	stream.linear.gather [hbm4b:s14+s2], $0x80, $0x38;
	[tilespmem:$0x10400] =	vst v63  }
0x165: {  	s25 =	sand.u32 $0x1FFFFFF0, s30;
	s14 =	sadd.s32 s4, s28;
	s28 =	spop (v2sf);
	(v2sf) =	vpush v63, $0x6  }
0x166: {  	[tilespmem:s29], [sflag:$0x1] =	stream.linear.gather [hbm4b:s14+s2], $0x80, $0x38;
	[tilespmem:$0x10400] =	vst v63  }
0x167: {  	s30 =	sand.u32 $0x1FFFFFF0, s28;
	s31 =	spop (v2sf);
	(v2sf) =	vpush v1, $0x7;
	s29 =	sadd.s32 s3, s25  }
0x168: {  	[tilespmem:s26], [sflag:$0x1] =	stream.linear.gather [hbm4b:s29+s2], $0x80, $0x38;
	[tilespmem:$0x10400] =	vst v63  }
0x169: {  	s14 =	sadd.s32 s4, s30;
	s28 =	spop (v2sf);
	(v2sf) =	vpush v63, $0x7;
	s26 =	sand.u32 $0x1FFFFFF0, s31  }
0x16a: {  	[tilespmem:s22], [sflag:$0x1] =	stream.linear.gather [hbm4b:s14+s2], $0x80, $0x38;
	[tilespmem:$0x10400] =	vst v63  }
0x16b: {  	s30 =	sand.u32 $0x1FFFFFF0, s28;
	s31 =	spop (v2sf);
	(v2sf) =	vpush v1, $0x8;
	s29 =	sadd.s32 s3, s26  }
0x16c: {  	[tilespmem:s1], [sflag:$0x1] =	stream.linear.gather [hbm4b:s29+s2], $0x80, $0x38;
	[tilespmem:$0x10400] =	vst v63  }
0x16d: {  	s21 =	simm.s32 @!p0 $0x1;
	s1 =	sadd.s32 s4, s30;
	s22 =	spop (v2sf)  }
0x16e: {  	[tilespmem:s12], [sflag:$0x1] =	stream.linear.gather [hbm4b:s1+s2], $0x80, $0x38;
	[tilespmem:$0x10400] =	vst v63  }
0x16f: {  	s14 =	sand.u32 $0x1FFFFFF0, s31;
	(v2sf) =	vpush v63, $0x8;
	s26 =	sand.u32 $0x1FFFFFF0, s22;
	s28 =	spop (v2sf)  }
0x170: {  	s25 =	sadd.s32 s3, s14;
	(v2sf) =	vpush v1, $0x9;
	s29 =	sadd.s32 s4, s26;
	s31 =	spop (v2sf)  }
0x171: {  	[tilespmem:s13], [sflag:$0x1] =	stream.linear.gather [hbm4b:s25+s2], $0x80, $0x38;
	[tilespmem:$0x10400] =	vst v63  }
0x172: {  	s30 =	sand.u32 $0x1FFFFFF0, s28;
	(v2sf) =	vpush v63, $0x9;
	s12 =	sand.u32 $0x1FFFFFF0, s31;
	s13 =	spop (v2sf)  }
0x173: {  	[tilespmem:s16], [sflag:$0x1] =	stream.linear.gather [hbm4b:s29+s2], $0x80, $0x38;
	[tilespmem:$0x10400] =	vst v63  }
0x174: {  	s1 =	sadd.s32 s3, s30;
	s14 =	sadd.s32 s4, s12;
	s22 =	spop (v2sf)  }
0x175: {  	(v2sf) =	vpush v1, $0xA;
	[tilespmem:s6], [sflag:$0x1] =	stream.linear.gather [hbm4b:s1+s2], $0x80, $0x38;
	[tilespmem:$0x10400] =	vst v63  }
0x176: {  	s16 =	sand.u32 $0x1FFFFFF0, s13;
	s26 =	sand.u32 $0x1FFFFFF0, s22;
	s28 =	spop (v2sf)  }
0x177: {  	(v2sf) =	vpush v63, $0xA;
	[tilespmem:s11], [sflag:$0x1] =	stream.linear.gather [hbm4b:s14+s2], $0x80, $0x38;
	[tilespmem:$0x10400] =	vst v63  }
0x178: {  	s25 =	sadd.s32 s3, s16;
	s29 =	sadd.s32 s4, s26;
	s31 =	spop (v2sf)  }
0x179: {  	[tilespmem:s10], [sflag:$0x1] =	stream.linear.gather [hbm4b:s25+s2], $0x80, $0x38;
	[tilespmem:$0x10400] =	vst v63  }
0x17a: {  	s30 =	sand.u32 $0x1FFFFFF0, s28;
	s11 =	sand.u32 $0x1FFFFFF0, s31;
	s12 =	spop (v2sf)  }
0x17b: {  	(v2sf) =	vpush v1, $0xB;
	[tilespmem:s9], [sflag:$0x1] =	stream.linear.gather [hbm4b:s29+s2], $0x80, $0x38;
	[tilespmem:$0x10400] =	vst v63  }
0x17c: {  	s31 =	rddreg [dreg:$0x16];
	s10 =	sadd.s32 s3, s30;
	s14 =	sand.u32 $0x1FFFFFF0, s12  }
0x17d: {  	(v2sf) =	vpush v63, $0xB;
	[tilespmem:s8], [sflag:$0x1] =	stream.linear.gather [hbm4b:s10+s2], $0x80, $0x38;
	[tilespmem:$0x10400] =	vst v63  }
0x17e: {  	s13 =	sadd.s32 s4, s11;
	s22 =	sadd.s32 s3, s14;
	s16 =	spop (v2sf)  }
0x17f: {  	(v2sf) =	vpush v1, $0xC;
	s14 =	rddreg [dreg:$0x14];
	s25 =	sand.u32 $0x1FFFFFF0, s16;
	s26 =	spop (v2sf)  }
0x180: {  	[tilespmem:s7], [sflag:$0x1] =	stream.linear.gather [hbm4b:s13+s2], $0x80, $0x38;
	[tilespmem:$0x10400] =	vst v63  }
0x181: {  	s10 =	rddreg [dreg:$0xe];
	s28 =	sadd.s32 s4, s25;
	s30 =	spop (v2sf)  }
0x182: {  	s29 =	sand.u32 $0x1FFFFFF0, s26;
	s26 =	rddreg [dreg:$0x12];
	s8 =	sand.u32 $0x1FFFFFF0, s30  }
0x183: {  	(v2sf) =	vpush v63, $0xC;
	[tilespmem:s5], [sflag:$0x1] =	stream.linear.gather [hbm4b:s22+s2], $0x80, $0x38;
	[tilespmem:$0x10400] =	vst v63  }
0x184: {  	s7 =	sadd.s32 s3, s29;
	s9 =	spop (v2sf);
	s11 =	sadd.s32 s4, s8  }
0x185: {  	(v2sf) =	vpush v1, $0xD;
	[tilespmem:s31], [sflag:$0x1] =	stream.linear.gather [hbm4b:s28+s2], $0x80, $0x38;
	[tilespmem:$0x10400] =	vst v63  }
0x186: {  	(v2sf) =	vpush v63, $0xD;
	s8 =	rddreg [dreg:$0xc];
	s12 =	sand.u32 $0x1FFFFFF0, s9;
	s13 =	spop (v2sf)  }
0x187: {  	[tilespmem:s10], [sflag:$0x1] =	stream.linear.gather [hbm4b:s7+s2], $0x80, $0x38;
	[tilespmem:$0x10400] =	vst v63  }
0x188: {  	(v2sf) =	vpush v1, $0xE;
	s16 =	sadd.s32 s3, s12;
	s31 =	rddreg [dreg:$0xa];
	s22 =	sand.u32 $0x1FFFFFF0, s13  }
0x189: {  	[tilespmem:s14], [sflag:$0x1] =	stream.linear.gather [hbm4b:s11+s2], $0x80, $0x38;
	[tilespmem:$0x10400] =	vst v63  }
0x18a: {  	s12 =	rddreg [dreg:$0x6];
	s25 =	spop (v2sf);
	s28 =	sadd.s32 s4, s22  }
0x18b: {  	[tilespmem:s26], [sflag:$0x1] =	stream.linear.gather [hbm4b:s16+s2], $0x80, $0x38;
	[tilespmem:$0x10400] =	vst v63  }
0x18c: {  	s29 =	sand.u32 $0x1FFFFFF0, s25;
	s30 =	spop (v2sf);
	s22 =	rddreg [dreg:$0x4]  }
0x18d: {  	[tilespmem:s31], [sflag:$0x1] =	stream.linear.gather [hbm4b:s28+s2], $0x80, $0x38;
	[tilespmem:$0x10400] =	vst v63  }
0x18e: {  	s1 =	sadd.s32 s3, s29;
	s5 =	sand.u32 $0x1FFFFFF0, s30;
	s7 =	spop (v2sf)  }
0x18f: {  	[tilespmem:s8], [sflag:$0x1] =	stream.linear.gather [hbm4b:s1+s2], $0x80, $0x38;
	[tilespmem:$0x10400] =	vst v63  }
0x190: {  	s29 =	rddreg [dreg:$0x8];
	s9 =	sadd.s32 s4, s5;
	s10 =	sand.u32 $0x1FFFFFF0, s7  }
0x191: {  	[tilespmem:s12], [sflag:$0x1] =	stream.linear.gather [hbm4b:s9+s2], $0x80, $0x38;
	[tilespmem:$0x10400] =	vst v63  }
0x192: {  	s13 =	sadd.s32 s3, s10;
	s31 =	rddreg [dreg:$0x10];
	s11 =	spop (v2sf)  }
0x193: {  	[tilespmem:s22], [sflag:$0x1] =	stream.linear.gather [hbm4b:s13+s2], $0x80, $0x38;
	[tilespmem:$0x10400] =	vst v63  }
.Ltmp1:
0x194: {  	s14 =	sand.u32 $0x1FFFFFF0, s11;
	s16 =	spop (v2sf);
	(pc) =	sbr.rel @p1 .LBB2_4-.Ltmp1, $4  }
0x195: {  	s25 =	sadd.s32 s4, s14;
	s26 =	sand.u32 $0x1FFFFFF0, s16;
	s28 =	spop (v2sf)  }
0x196: {  	(v2sf) =	vpush v63, $0xE;
	[tilespmem:s29], [sflag:$0x1] =	stream.linear.gather [hbm4b:s25+s2], $0x80, $0x38;
	[tilespmem:$0x10400] =	vst v63  }
0x197: {  	(v2sf) =	vpush v1, $0xF;
	s30 =	sadd.s32 s3, s26;
	s1 =	sand.u32 $0x1FFFFFF0, s28;
	s5 =	spop (v2sf)  }
0x198: {  	(v2sf) =	vpush v63, $0xF;
	[tilespmem:s31], [sflag:$0x1] =	stream.linear.gather [hbm4b:s30+s2], $0x80, $0x38;
	[tilespmem:$0x10400] =	vst v63  }
0x199: {  	_ =	sdelay $0x7  }
0x19a: {  	s0 =	sadd.s32 s4, s1;
	s10 =	sand.u32 $0x1FFFFFF0, s5  }
0x19b: {  	[tilespmem:s23], [sflag:$0x1] =	stream.linear.gather [hbm4b:s0+s2], $0x80, $0x38;
	[tilespmem:$0x10400] =	vst v63  }
0x19c: {  	s12 =	sadd.s32 s3, s10  }
0x19d: {  	[tilespmem:s24], [sflag:$0x1] =	stream.linear.gather [hbm4b:s12+s2], $0x80, $0x38;
	[tilespmem:$0x10400] =	vst v63  }
0x19e: {  	s11 =	spop (v2sf)  }
0x19f: {  	s13 =	sand.u32 $0x1FFFFFF0, s11;
	s14 =	spop (v2sf)  }
0x1a0: {  	s16 =	sadd.s32 s4, s13;
	s17 =	sand.u32 $0x1FFFFFF0, s14;
	s19 =	spop (v2sf)  }
0x1a1: {  	[tilespmem:s15], [sflag:$0x1] =	stream.linear.gather [hbm4b:s16+s2], $0x80, $0x38;
	[tilespmem:$0x10400] =	vst v63  }
0x1a2: {  	s20 =	sadd.s32 $0xB80, s18;
	s1 =	sadd.s32 s3, s17;
	s5 =	sand.u32 $0x1FFFFFF0, s19  }
0x1a3: {  	[tilespmem:s20], [sflag:$0x1] =	stream.linear.gather [hbm4b:s1+s2], $0x80, $0x38;
	[tilespmem:$0x10400] =	vst v63  }
0x1a4: {  	s22 =	sadd.s32 $0x8B80, s18;
	s23 =	sadd.s32 s4, s5  }
0x1a5: {  	[tilespmem:s22], [sflag:$0x1] =	stream.linear.gather [hbm4b:s23+s2], $0x80, $0x38;
	[tilespmem:$0x10400] =	vst v63  }
0x1a6: {  	_ =	swait.ge @!p0 [sflag:s21], $0x800  }
0x1a7: {  	[sflag:s21] =	ssyncset.done @!p0 $0x0  }
0x1a8: {  	[sflag:s21] =	ssyncadd.s32 @!p0 $0xFFFFF800  }
0x1a9: {  	_ =	swait.ge @!p0 [sflag:s21], $0x800  }
0x1aa: {  	[sflag:s21] =	ssyncset.done @!p0 $0x0  }
0x1ab: {  	s24 =	simm.s32 $0x1;
	[sflag:s21] =	ssyncadd.s32 @!p0 $0xFFFFF800  }
0x1ac: {  	_ =	swait.ge [sflag:s24], $0x800  }
0x1ad: {  	[sflag:s24] =	ssyncset.done $0x0  }
0x1ae: {  	[sflag:s24] =	ssyncadd.s32 $0xFFFFF800  }
0x1af: {  	_ =	swait.ge [sflag:s24], $0x800  }
0x1b0: {  	s26 =	simm.s32 $0x400;
	[sflag:s24] =	ssyncset.done $0x0  }
0x1b1: {  	s5 =	simm.s32 $0x2;
	s25 =	rddreg [dreg:$0x1b];
	[sflag:s24] =	ssyncadd.s32 $0xFFFFF800  }
0x1b2: {  	[hbm4b:s25+s2] =	stream.linear.scatter [tilespmem:s26], [sflag:$0x2], $0x8000, $0x38;
	[tilespmem:$0x10400] =	vst v63  }
0x1b3: {  	_ =	swait.ge [sflag:s5], $0x8000  }
0x1b4: {  	[sflag:s5] =	ssyncset.done $0x0  }
0x1b5: {  	s29 =	simm.s32 $0x8400;
	s28 =	rddreg [dreg:$0x1c];
	[sflag:s5] =	ssyncadd.s32 $0xFFFF8000  }
0x1b6: {  	[hbm4b:s28+s2] =	stream.linear.scatter [tilespmem:s29], [sflag:$0x2], $0x8000, $0x38;
	[tilespmem:$0x10400] =	vst v63  }
0x1b7: {  	_ =	swait.ge [sflag:s5], $0x8000  }
0x1b8: {  	s30 =	rddreg [dreg:$0x1e]  }
0x1b9: {  	s31 =	rddreg [dreg:$0x1d];
	s1 =	sadd.s32 $0x1, s30  }
0x1ba: {  	p0 =	sne.s32 s1, s31  }
.Ltmp2:
0x1bb: {  	_ = 	snop;
	(pc) =	sbr.rel @p0 .LBB2_1-.Ltmp2, $3  }
0x1bc: {  	_ =	sdelay $0x1  }
0x1bd: {  	[sflag:s5] =	ssyncset.done $0x0  }
0x1be: {  	[sflag:s5] =	ssyncadd.s32 $0xFFFF8000  }
0x1bf: {  	_ =	sfence.sel $0x180000  }
0x1c0: {  	[bflag:$0x0] =	sbarrier.arrive $0xFFFF  }
0x1c1: {  	_ =	strace $0x90000047  }
0x1c2: {  	s0 =	stileid.u32;
	[bflag:$0x2] =	sbarrier.arrive $0xFFFF  }
0x1c3: {  	p0 =	sne.s32 s0, $0x0;
	s0 =	rddreg [dreg:$0x2]  }
0x1c4: {  	s0 =	sadd.s32 @!p0 $0x100000, s0  }
0x1c5: {  	[sflag:s0] =	ssyncadd.tile.s32 @!p0 $0x1;
	_ =	shalt  }
.Lfunc_end2:
_tile_overlayer_lowered:
.L_overlay_start_2:
0x1c6: {  	(tag) =	ssettag $0x2  }
0x1c7: {  	s0 =	rddreg [dreg:$0x0];
	s2 =	stileid.u32  }
0x1c8: {  	s1 =	rddreg [dreg:$0x1];
	p0 =	sne.s32 s2, $0x0  }
0x1c9: {  	s3 =	rddreg [dreg:$0x2];
	[bflag:$0x3] =	sbarrier.arrive $0xFFFF;
	s2 =	simm.s32 @!p0 $0x1C02  }
0x1ca: {  	[timem:s3], [sflag:s2] =	dma.local @!p0 [hbm:s0], s1  }
0x1cb: {  	s0 =	simm.s32 @!p0 $0x2  }
0x1cc: {  	_ =	swait.ge @!p0 [sflag:s0], s1  }
0x1cd: {  	s1 =	ssub.s32 @!p0 $0x0, s1;
	[sflag:s0] =	ssyncset.done @!p0 $0x0  }
0x1ce: {  	[sflag:s0] =	ssyncadd.s32 @!p0 s1  }
0x1cf: {  	[bflag:$0x3] =	sbarrier.arrive $0xFFFF  }
0x1d0: {  	_ =	shalt  }

</sc_bundles>
